<compile_context>
chip_gen: v7x
topology: tpu7x:2x2x1
jax: 0.10.2.dev20260603
libtpu: 0.0.44.dev20260713+nightly
codegen_flags: <defaults>
</compile_context>

<pallas_src>
import functools

import jax
import jax.numpy as jnp
from jax import lax
from jax.experimental import pallas as pl
from jax.experimental.pallas import tpu as pltpu
from jax.experimental.pallas import tpu_sc as plsc

VOCAB = 1000000
EMBED = 64
HIDDEN = 64
CLASSES = 10
BATCH = 16384
HIST = 50

NC = 2
NS = 16
LANES = 16
NW = NC * NS
B_PER_W = BATCH // NW
CB = 2
CHUNK_IDX = CB * HIST
NCHUNK = B_PER_W // CB
EV = EMBED // LANES

VB = 2048
NPAIR = -(-VOCAB // (2 * VB))
VROWS = NPAIR * 2 * VB


def _interleave_body(a_ref, b_ref, o_ref):
    r = lax.broadcasted_iota(jnp.int32, (EMBED, EMBED), 0)
    c = lax.broadcasted_iota(jnp.int32, (EMBED, EMBED), 1)
    eye = (r == c).astype(jnp.float32)
    o_ref[:, 0:EMBED] = jnp.einsum(
        "km,kn->mn", a_ref[...], eye, preferred_element_type=jnp.float32
    )
    o_ref[:, EMBED:2 * EMBED] = jnp.einsum(
        "km,kn->mn", b_ref[...], eye, preferred_element_type=jnp.float32
    )


def _tc_interleave(tbl_t):
    last = VOCAB // VB - 1
    return pl.pallas_call(
        _interleave_body,
        grid=(NPAIR,),
        in_specs=[pl.BlockSpec((EMBED, VB), lambda i: (0, 2 * i)),
                  pl.BlockSpec(
                      (EMBED, VB), lambda i: (0, jnp.minimum(2 * i + 1, last))
                  )],
        out_specs=pl.BlockSpec((VB, 2 * EMBED), lambda i: (i, 0)),
        out_shape=jax.ShapeDtypeStruct((NPAIR * VB, 2 * EMBED), jnp.float32),
        compiler_params=pltpu.CompilerParams(
            fuse_transposed_lhs_in_matmul=True
        ),
    )(tbl_t, tbl_t)


def _pool_body(x_hbm, table_hbm, out_hbm, idx_v, buf0, buf1, out_v,
               sem0, sem1):
    wid = lax.axis_index("s") * NC + lax.axis_index("c")
    base = wid * B_PER_W

    pltpu.sync_copy(x_hbm.at[wid], idx_v)

    def start(chunk, buf, sem):
        return pltpu.async_copy(table_hbm.at[idx_v.at[chunk]], buf, sem)

    def wait(chunk, buf, sem):
        pltpu.make_async_copy(table_hbm.at[idx_v.at[chunk]], buf, sem).wait()

    def reduce_chunk(chunk, buf):
        for r in range(CB):
            row0 = r * HIST

            def body(j, accs):
                return tuple(
                    accs[k] + buf[row0 + j, pl.ds(k * LANES, LANES)]
                    for k in range(EV)
                )

            accs = lax.fori_loop(
                0, HIST, body,
                tuple(jnp.zeros((LANES,), jnp.float32) for _ in range(EV)),
                unroll=5,
            )
            orow = chunk * CB + r
            for k in range(EV):
                out_v[orow, pl.ds(k * LANES, LANES)] = accs[k] * (1.0 / HIST)

    start(0, buf0, sem0)
    start(1, buf1, sem1)

    def loop(i, carry):
        c0 = i * 2
        wait(c0, buf0, sem0)
        reduce_chunk(c0, buf0)

        @pl.when(c0 + 2 < NCHUNK)
        def _():
            start(c0 + 2, buf0, sem0)

        wait(c0 + 1, buf1, sem1)
        reduce_chunk(c0 + 1, buf1)

        @pl.when(c0 + 3 < NCHUNK)
        def _():
            start(c0 + 3, buf1, sem1)

        return carry

    lax.fori_loop(0, NCHUNK // 2, loop, 0)

    pltpu.sync_copy(out_v, out_hbm.at[pl.ds(base, B_PER_W)])


def _sc_pool(x_grp, table_lin):
    mesh = plsc.VectorSubcoreMesh(core_axis_name="c", subcore_axis_name="s")
    return pl.kernel(
        _pool_body,
        out_type=jax.ShapeDtypeStruct((BATCH, EMBED), jnp.float32),
        mesh=mesh,
        scratch_types=[
            pltpu.VMEM((NCHUNK, CHUNK_IDX), jnp.int32),
            pltpu.VMEM((CHUNK_IDX, EMBED), jnp.float32),
            pltpu.VMEM((CHUNK_IDX, EMBED), jnp.float32),
            pltpu.VMEM((B_PER_W, EMBED), jnp.float32),
            pltpu.SemaphoreType.DMA,
            pltpu.SemaphoreType.DMA,
        ],
        compiler_params=pltpu.CompilerParams(use_tc_tiling_on_sc=False),
    )(x_grp, table_lin)


def _mlp_body(p_ref, w1_ref, b1_ref, w2_ref, b2_ref, o_ref):
    h = jnp.dot(p_ref[...], w1_ref[...], preferred_element_type=jnp.float32)
    h = jnp.maximum(h + b1_ref[...], 0.0)
    o_ref[...] = (
        jnp.dot(h, w2_ref[...], preferred_element_type=jnp.float32)
        + b2_ref[...]
    )


def _tc_mlp(pooled, W1, b1, W2, b2):
    blk = 2048
    return pl.pallas_call(
        _mlp_body,
        grid=(BATCH // blk,),
        in_specs=[
            pl.BlockSpec((blk, EMBED), lambda i: (i, 0)),
            pl.BlockSpec((EMBED, HIDDEN), lambda i: (0, 0)),
            pl.BlockSpec((1, HIDDEN), lambda i: (0, 0)),
            pl.BlockSpec((HIDDEN, CLASSES), lambda i: (0, 0)),
            pl.BlockSpec((1, CLASSES), lambda i: (0, 0)),
        ],
        out_specs=pl.BlockSpec((blk, CLASSES), lambda i: (i, 0)),
        out_shape=jax.ShapeDtypeStruct((BATCH, CLASSES), jnp.float32),
    )(pooled, W1, b1, W2, b2)


@jax.jit
def _run(x, table, W1, b1, W2, b2):
    packed = _tc_interleave(table.T)
    table_lin = packed.reshape(VROWS, EMBED)
    v = x.astype(jnp.int32)
    v = ((v >> 12) << 12) + ((v & 2047) << 1) + ((v >> 11) & 1)
    x_grp = v.reshape(NW, NCHUNK, CHUNK_IDX)
    pooled = _sc_pool(x_grp, table_lin)
    return _tc_mlp(pooled, W1, b1.reshape(1, HIDDEN),
                   W2, b2.reshape(1, CLASSES))


def kernel(x, table, W1, b1, W2, b2):
    return _run(x, table, W1, b1, W2, b2)

# --- scband reference (transcript-rebuilt; emitter-appended) ---
"""Pipeline reference for scband-embedding-model-59734405153405 (READ-ONLY COPY).

The authoritative reference and input builder live on the scoring server;
editing this copy changes nothing except your own understanding.
"""

import jax, jax.numpy as jnp
import numpy as np

VOCAB = 1000000
EMBED = 64
HIDDEN = 64
CLASSES = 10
BATCH = 16384
HIST = 50

def setup_inputs(seed: int = 0) -> dict:
    key = jax.random.key(seed)
    k1, k2, k3, k4, k5, k6 = jax.random.split(key, 6)
    x = jax.random.randint(k1, (BATCH, HIST), 0, VOCAB, dtype=jnp.int64 if jax.config.jax_enable_x64 else jnp.int32)
    table = jax.random.normal(k2, (VOCAB, EMBED), dtype=jnp.float32) * 0.02
    W1 = jax.random.normal(k3, (EMBED, HIDDEN), dtype=jnp.float32) * (1.0 / np.sqrt(EMBED))
    b1 = jnp.zeros((HIDDEN,), dtype=jnp.float32)
    W2 = jax.random.normal(k4, (HIDDEN, CLASSES), dtype=jnp.float32) * (1.0 / np.sqrt(HIDDEN))
    b2 = jnp.zeros((CLASSES,), dtype=jnp.float32)
    return {"x": x, "table": table, "W1": W1, "b1": b1, "W2": W2, "b2": b2}

def reference(x, table, W1, b1, W2, b2):
    # embedding lookup (gather) -> mean over sequence dim
    embedded = jnp.take(table, x, axis=0)          # [B, L, E]
    embedded = embedded.mean(axis=1)               # [B, E]
    hidden = jax.nn.relu(embedded @ W1 + b1)       # [B, H]
    out = hidden @ W2 + b2                         # [B, C]
    return out

if __name__ == "__main__":
    import jax
    _d = setup_inputs()
    print(jax.jit(kernel)(*tuple(_d.values())))

</pallas_src>

<mosaic_0001>
#map = affine_map<(d0, d1) -> (0, 0, 0)>
#map1 = affine_map<(d0, d1) -> (0, 0)>
module attributes {stable_mosaic.version = 14 : i64} {
  func.func @_pool_body(%arg0: i32, %arg1: i32, %arg2: memref<32x256x100xi32, #tpu.memory_space<hbm>>, %arg3: memref<1003520x64xf32, #tpu.memory_space<hbm>>, %arg4: memref<16384x64xf32, #tpu.memory_space<hbm>>, %arg5: memref<256x100xi32, #tpu.memory_space<vmem>>, %arg6: memref<100x64xf32, #tpu.memory_space<vmem>>, %arg7: memref<100x64xf32, #tpu.memory_space<vmem>>, %arg8: memref<512x64xf32, #tpu.memory_space<vmem>>, %arg9: memref<!tpu.dma_semaphore, #tpu.memory_space<semaphore_mem>>, %arg10: memref<!tpu.dma_semaphore, #tpu.memory_space<semaphore_mem>>) attributes {dimension_semantics = [#tpu.dimension_semantics<core_parallel>, #tpu.dimension_semantics<subcore_parallel>], iteration_bounds = array<i64: 2, 16>, scalar_prefetch = 0 : i64, scratch_operands = 6 : i64, tpu.core_type = #tpu.core_type<sc_vector_subcore>, window_params = [{transform_indices = #map}, {transform_indices = #map1}, {transform_indices = #map1}]} {
    %mul3A = arith.constant 2 : i32
    %mul3A_0 = arith.muli %arg1, %mul3A : i32
    %add3A = arith.addi %mul3A_0, %arg0 : i32
    %mul3A_1 = arith.constant 512 : i32
    %mul3A_2 = arith.muli %add3A, %mul3A_1 : i32
    "tpu.region"() ({
      %run_scoped3A = tpu.sem_alloc : memref<!tpu.dma_semaphore, #tpu.memory_space<semaphore_mem>>
      %dma_start3A_21 = arith.constant 0 : i32
      %dma_start3A_22 = arith.constant 0 : i32
      %dma_start3A_23 = tpu.memref_slice %arg2[%add3A, %dma_start3A_21, %dma_start3A_22] : memref<32x256x100xi32, #tpu.memory_space<hbm>> -> memref<1x256x100xi32, #tpu.memory_space<hbm>>
      %dma_start3A_24 = tpu.memref_squeeze %dma_start3A_23 : memref<1x256x100xi32, #tpu.memory_space<hbm>> -> memref<256x100xi32, #tpu.memory_space<hbm>>
      %dma_start3A_25 = arith.constant 0 : i32
      %dma_start3A_26 = arith.constant 0 : i32
      %dma_start3A_27 = tpu.memref_slice %arg2[%add3A, %dma_start3A_25, %dma_start3A_26] : memref<32x256x100xi32, #tpu.memory_space<hbm>> -> memref<1x256x100xi32, #tpu.memory_space<hbm>>
      %dma_start3A_28 = tpu.memref_squeeze %dma_start3A_27 : memref<1x256x100xi32, #tpu.memory_space<hbm>> -> memref<256x100xi32, #tpu.memory_space<hbm>>
      tpu.enqueue_dma source(%dma_start3A_28 : memref<256x100xi32, #tpu.memory_space<hbm>>) target(%arg5 : memref<256x100xi32, #tpu.memory_space<vmem>>) target_semaphore(%run_scoped3A : memref<!tpu.dma_semaphore, #tpu.memory_space<semaphore_mem>>)
      %dma_wait3A = arith.constant 0 : i32
      %dma_wait3A_29 = arith.constant 0 : i32
      %dma_wait3A_30 = tpu.memref_slice %arg2[%add3A, %dma_wait3A, %dma_wait3A_29] : memref<32x256x100xi32, #tpu.memory_space<hbm>> -> memref<1x256x100xi32, #tpu.memory_space<hbm>>
      %dma_wait3A_31 = tpu.memref_squeeze %dma_wait3A_30 : memref<1x256x100xi32, #tpu.memory_space<hbm>> -> memref<256x100xi32, #tpu.memory_space<hbm>>
      %dma_wait3A_32 = arith.constant 0 : i32
      %dma_wait3A_33 = arith.constant 0 : i32
      %dma_wait3A_34 = tpu.memref_slice %arg2[%add3A, %dma_wait3A_32, %dma_wait3A_33] : memref<32x256x100xi32, #tpu.memory_space<hbm>> -> memref<1x256x100xi32, #tpu.memory_space<hbm>>
      %dma_wait3A_35 = tpu.memref_squeeze %dma_wait3A_34 : memref<1x256x100xi32, #tpu.memory_space<hbm>> -> memref<256x100xi32, #tpu.memory_space<hbm>>
      tpu.wait_dma2 semaphore(%run_scoped3A : memref<!tpu.dma_semaphore, #tpu.memory_space<semaphore_mem>>) src(%dma_wait3A_35 : memref<256x100xi32, #tpu.memory_space<hbm>>) dst(%arg5 : memref<256x100xi32, #tpu.memory_space<vmem>>)
      tpu.yield
    }) : () -> ()
    %dma_start3A = arith.constant 0 : i32
    %dma_start3A_3 = arith.constant 0 : i32
    %dma_start3A_4 = tpu.memref_slice %arg5[%dma_start3A, %dma_start3A_3] : memref<256x100xi32, #tpu.memory_space<vmem>> -> memref<1x100xi32, #tpu.memory_space<vmem>>
    %dma_start3A_5 = tpu.memref_squeeze %dma_start3A_4 : memref<1x100xi32, #tpu.memory_space<vmem>> -> memref<100xi32, #tpu.memory_space<vmem>>
    %dma_start3A_6 = arith.constant 0 : i32
    %dma_start3A_7 = arith.constant 0 : i32
    %dma_start3A_8 = tpu.memref_slice %arg3[%dma_start3A_6, %dma_start3A_7] : memref<1003520x64xf32, #tpu.memory_space<hbm>> -> memref<1003520x64xf32, #tpu.memory_space<hbm>>
    tpu.enqueue_indirect_dma source(%dma_start3A_8 : memref<1003520x64xf32, #tpu.memory_space<hbm>>) target(%arg6 : memref<100x64xf32, #tpu.memory_space<vmem>>) offsets(%dma_start3A_5 : memref<100xi32, #tpu.memory_space<vmem>>) semaphore(%arg9 : memref<!tpu.dma_semaphore, #tpu.memory_space<semaphore_mem>>)
    %dma_start3A_9 = arith.constant 1 : i32
    %dma_start3A_10 = arith.constant 0 : i32
    %dma_start3A_11 = tpu.memref_slice %arg5[%dma_start3A_9, %dma_start3A_10] : memref<256x100xi32, #tpu.memory_space<vmem>> -> memref<1x100xi32, #tpu.memory_space<vmem>>
    %dma_start3A_12 = tpu.memref_squeeze %dma_start3A_11 : memref<1x100xi32, #tpu.memory_space<vmem>> -> memref<100xi32, #tpu.memory_space<vmem>>
    %dma_start3A_13 = arith.constant 0 : i32
    %dma_start3A_14 = arith.constant 0 : i32
    %dma_start3A_15 = tpu.memref_slice %arg3[%dma_start3A_13, %dma_start3A_14] : memref<1003520x64xf32, #tpu.memory_space<hbm>> -> memref<1003520x64xf32, #tpu.memory_space<hbm>>
    tpu.enqueue_indirect_dma source(%dma_start3A_15 : memref<1003520x64xf32, #tpu.memory_space<hbm>>) target(%arg7 : memref<100x64xf32, #tpu.memory_space<vmem>>) offsets(%dma_start3A_12 : memref<100xi32, #tpu.memory_space<vmem>>) semaphore(%arg10 : memref<!tpu.dma_semaphore, #tpu.memory_space<semaphore_mem>>)
    %scan3A = arith.constant 0 : i32
    %scan3A_16 = arith.constant 0 : i32
    %scan3A_17 = arith.constant 128 : i32
    %scan3A_18 = arith.addi %scan3A_16, %scan3A_17 : i32
    %scan3A_19 = arith.constant 1 : i32
    scf.for %scan3A_21 = %scan3A_16 to %scan3A_18 step %scan3A_19  : i32 {
      %mul3A_22 = arith.constant 2 : i32
      %mul3A_23 = arith.muli %scan3A_21, %mul3A_22 : i32
      %dma_wait3A = arith.constant 0 : i32
      %dma_wait3A_24 = tpu.memref_slice %arg5[%mul3A_23, %dma_wait3A] : memref<256x100xi32, #tpu.memory_space<vmem>> -> memref<1x100xi32, #tpu.memory_space<vmem>>
      %dma_wait3A_25 = tpu.memref_squeeze %dma_wait3A_24 : memref<1x100xi32, #tpu.memory_space<vmem>> -> memref<100xi32, #tpu.memory_space<vmem>>
      %dma_wait3A_26 = arith.constant 0 : i32
      %dma_wait3A_27 = arith.constant 0 : i32
      %dma_wait3A_28 = tpu.memref_slice %arg3[%dma_wait3A_26, %dma_wait3A_27] : memref<1003520x64xf32, #tpu.memory_space<hbm>> -> memref<1003520x64xf32, #tpu.memory_space<hbm>>
      tpu.wait_indirect_dma semaphore(%arg9 : memref<!tpu.dma_semaphore, #tpu.memory_space<semaphore_mem>>) src(%dma_wait3A_28 : memref<1003520x64xf32, #tpu.memory_space<hbm>>) dst(%arg6 : memref<100x64xf32, #tpu.memory_space<vmem>>)
      %broadcast_in_dim3A = arith.constant 0.000000e+00 : f32
      %broadcast_in_dim3A_29 = vector.broadcast %broadcast_in_dim3A : f32 to vector<16xf32>
      %broadcast_in_dim3A_30 = arith.constant 0.000000e+00 : f32
      %broadcast_in_dim3A_31 = vector.broadcast %broadcast_in_dim3A_30 : f32 to vector<16xf32>
      %broadcast_in_dim3A_32 = arith.constant 0.000000e+00 : f32
      %broadcast_in_dim3A_33 = vector.broadcast %broadcast_in_dim3A_32 : f32 to vector<16xf32>
      %broadcast_in_dim3A_34 = arith.constant 0.000000e+00 : f32
      %broadcast_in_dim3A_35 = vector.broadcast %broadcast_in_dim3A_34 : f32 to vector<16xf32>
      %scan3A_36 = arith.constant 0 : i32
      %scan3A_37 = arith.constant 50 : i32
      %scan3A_38 = arith.addi %scan3A_36, %scan3A_37 : i32
      %scan3A_39 = arith.constant 5 : i32
      %scan3A_40:4 = scf.for %scan3A_248 = %scan3A_36 to %scan3A_38 step %scan3A_39 iter_args(%scan3A_249 = %broadcast_in_dim3A_29, %scan3A_250 = %broadcast_in_dim3A_31, %scan3A_251 = %broadcast_in_dim3A_33, %scan3A_252 = %broadcast_in_dim3A_35) -> (vector<16xf32>, vector<16xf32>, vector<16xf32>, vector<16xf32>)  : i32 {
        %add3A_253 = arith.constant 0 : i32
        %add3A_254 = arith.addi %add3A_253, %scan3A_248 : i32
        %get3A = arith.index_cast %add3A_254 : i32 to index
        %get3A_255 = arith.constant 0 : index
        %get3A_256 = tpu.vector_load %arg6[%get3A, %get3A_255] {strides = array<i32>} : memref<100x64xf32, #tpu.memory_space<vmem>>, vector<1x16xf32>,
        %get3A_257 = vector.shape_cast %get3A_256 : vector<1x16xf32> to vector<16xf32>
        %add3A_258 = arith.addf %scan3A_249, %get3A_257 : vector<16xf32>
        %add3A_259 = arith.constant 0 : i32
        %add3A_260 = arith.addi %add3A_259, %scan3A_248 : i32
        %get3A_261 = arith.index_cast %add3A_260 : i32 to index
        %get3A_262 = arith.constant 16 : index
        %get3A_263 = tpu.vector_load %arg6[%get3A_261, %get3A_262] {strides = array<i32>} : memref<100x64xf32, #tpu.memory_space<vmem>>, vector<1x16xf32>,
        %get3A_264 = vector.shape_cast %get3A_263 : vector<1x16xf32> to vector<16xf32>
        %add3A_265 = arith.addf %scan3A_250, %get3A_264 : vector<16xf32>
        %add3A_266 = arith.constant 0 : i32
        %add3A_267 = arith.addi %add3A_266, %scan3A_248 : i32
        %get3A_268 = arith.index_cast %add3A_267 : i32 to index
        %get3A_269 = arith.constant 32 : index
        %get3A_270 = tpu.vector_load %arg6[%get3A_268, %get3A_269] {strides = array<i32>} : memref<100x64xf32, #tpu.memory_space<vmem>>, vector<1x16xf32>,
        %get3A_271 = vector.shape_cast %get3A_270 : vector<1x16xf32> to vector<16xf32>
        %add3A_272 = arith.addf %scan3A_251, %get3A_271 : vector<16xf32>
        %add3A_273 = arith.constant 0 : i32
        %add3A_274 = arith.addi %add3A_273, %scan3A_248 : i32
        %get3A_275 = arith.index_cast %add3A_274 : i32 to index
        %get3A_276 = arith.constant 48 : index
        %get3A_277 = tpu.vector_load %arg6[%get3A_275, %get3A_276] {strides = array<i32>} : memref<100x64xf32, #tpu.memory_space<vmem>>, vector<1x16xf32>,
        %get3A_278 = vector.shape_cast %get3A_277 : vector<1x16xf32> to vector<16xf32>
        %add3A_279 = arith.addf %scan3A_252, %get3A_278 : vector<16xf32>
        %scan3A_280 = arith.constant 1 : i32
        %scan3A_281 = arith.addi %scan3A_248, %scan3A_280 : i32
        %add3A_282 = arith.constant 0 : i32
        %add3A_283 = arith.addi %add3A_282, %scan3A_281 : i32
        %get3A_284 = arith.index_cast %add3A_283 : i32 to index
        %get3A_285 = arith.constant 0 : index
        %get3A_286 = tpu.vector_load %arg6[%get3A_284, %get3A_285] {strides = array<i32>} : memref<100x64xf32, #tpu.memory_space<vmem>>, vector<1x16xf32>,
        %get3A_287 = vector.shape_cast %get3A_286 : vector<1x16xf32> to vector<16xf32>
        %add3A_288 = arith.addf %add3A_258, %get3A_287 : vector<16xf32>
        %add3A_289 = arith.constant 0 : i32
        %add3A_290 = arith.addi %add3A_289, %scan3A_281 : i32
        %get3A_291 = arith.index_cast %add3A_290 : i32 to index
        %get3A_292 = arith.constant 16 : index
        %get3A_293 = tpu.vector_load %arg6[%get3A_291, %get3A_292] {strides = array<i32>} : memref<100x64xf32, #tpu.memory_space<vmem>>, vector<1x16xf32>,
        %get3A_294 = vector.shape_cast %get3A_293 : vector<1x16xf32> to vector<16xf32>
        %add3A_295 = arith.addf %add3A_265, %get3A_294 : vector<16xf32>
        %add3A_296 = arith.constant 0 : i32
        %add3A_297 = arith.addi %add3A_296, %scan3A_281 : i32
        %get3A_298 = arith.index_cast %add3A_297 : i32 to index
        %get3A_299 = arith.constant 32 : index
        %get3A_300 = tpu.vector_load %arg6[%get3A_298, %get3A_299] {strides = array<i32>} : memref<100x64xf32, #tpu.memory_space<vmem>>, vector<1x16xf32>,
        %get3A_301 = vector.shape_cast %get3A_300 : vector<1x16xf32> to vector<16xf32>
        %add3A_302 = arith.addf %add3A_272, %get3A_301 : vector<16xf32>
        %add3A_303 = arith.constant 0 : i32
        %add3A_304 = arith.addi %add3A_303, %scan3A_281 : i32
        %get3A_305 = arith.index_cast %add3A_304 : i32 to index
        %get3A_306 = arith.constant 48 : index
        %get3A_307 = tpu.vector_load %arg6[%get3A_305, %get3A_306] {strides = array<i32>} : memref<100x64xf32, #tpu.memory_space<vmem>>, vector<1x16xf32>,
        %get3A_308 = vector.shape_cast %get3A_307 : vector<1x16xf32> to vector<16xf32>
        %add3A_309 = arith.addf %add3A_279, %get3A_308 : vector<16xf32>
        %scan3A_310 = arith.constant 2 : i32
        %scan3A_311 = arith.addi %scan3A_248, %scan3A_310 : i32
        %add3A_312 = arith.constant 0 : i32
        %add3A_313 = arith.addi %add3A_312, %scan3A_311 : i32
        %get3A_314 = arith.index_cast %add3A_313 : i32 to index
        %get3A_315 = arith.constant 0 : index
        %get3A_316 = tpu.vector_load %arg6[%get3A_314, %get3A_315] {strides = array<i32>} : memref<100x64xf32, #tpu.memory_space<vmem>>, vector<1x16xf32>,
        %get3A_317 = vector.shape_cast %get3A_316 : vector<1x16xf32> to vector<16xf32>
        %add3A_318 = arith.addf %add3A_288, %get3A_317 : vector<16xf32>
        %add3A_319 = arith.constant 0 : i32
        %add3A_320 = arith.addi %add3A_319, %scan3A_311 : i32
        %get3A_321 = arith.index_cast %add3A_320 : i32 to index
        %get3A_322 = arith.constant 16 : index
        %get3A_323 = tpu.vector_load %arg6[%get3A_321, %get3A_322] {strides = array<i32>} : memref<100x64xf32, #tpu.memory_space<vmem>>, vector<1x16xf32>,
        %get3A_324 = vector.shape_cast %get3A_323 : vector<1x16xf32> to vector<16xf32>
        %add3A_325 = arith.addf %add3A_295, %get3A_324 : vector<16xf32>
        %add3A_326 = arith.constant 0 : i32
        %add3A_327 = arith.addi %add3A_326, %scan3A_311 : i32
        %get3A_328 = arith.index_cast %add3A_327 : i32 to index
        %get3A_329 = arith.constant 32 : index
        %get3A_330 = tpu.vector_load %arg6[%get3A_328, %get3A_329] {strides = array<i32>} : memref<100x64xf32, #tpu.memory_space<vmem>>, vector<1x16xf32>,
        %get3A_331 = vector.shape_cast %get3A_330 : vector<1x16xf32> to vector<16xf32>
        %add3A_332 = arith.addf %add3A_302, %get3A_331 : vector<16xf32>
        %add3A_333 = arith.constant 0 : i32
        %add3A_334 = arith.addi %add3A_333, %scan3A_311 : i32
        %get3A_335 = arith.index_cast %add3A_334 : i32 to index
        %get3A_336 = arith.constant 48 : index
        %get3A_337 = tpu.vector_load %arg6[%get3A_335, %get3A_336] {strides = array<i32>} : memref<100x64xf32, #tpu.memory_space<vmem>>, vector<1x16xf32>,
        %get3A_338 = vector.shape_cast %get3A_337 : vector<1x16xf32> to vector<16xf32>
        %add3A_339 = arith.addf %add3A_309, %get3A_338 : vector<16xf32>
        %scan3A_340 = arith.constant 3 : i32
        %scan3A_341 = arith.addi %scan3A_248, %scan3A_340 : i32
        %add3A_342 = arith.constant 0 : i32
        %add3A_343 = arith.addi %add3A_342, %scan3A_341 : i32
        %get3A_344 = arith.index_cast %add3A_343 : i32 to index
        %get3A_345 = arith.constant 0 : index
        %get3A_346 = tpu.vector_load %arg6[%get3A_344, %get3A_345] {strides = array<i32>} : memref<100x64xf32, #tpu.memory_space<vmem>>, vector<1x16xf32>,
        %get3A_347 = vector.shape_cast %get3A_346 : vector<1x16xf32> to vector<16xf32>
        %add3A_348 = arith.addf %add3A_318, %get3A_347 : vector<16xf32>
        %add3A_349 = arith.constant 0 : i32
        %add3A_350 = arith.addi %add3A_349, %scan3A_341 : i32
        %get3A_351 = arith.index_cast %add3A_350 : i32 to index
        %get3A_352 = arith.constant 16 : index
        %get3A_353 = tpu.vector_load %arg6[%get3A_351, %get3A_352] {strides = array<i32>} : memref<100x64xf32, #tpu.memory_space<vmem>>, vector<1x16xf32>,
        %get3A_354 = vector.shape_cast %get3A_353 : vector<1x16xf32> to vector<16xf32>
        %add3A_355 = arith.addf %add3A_325, %get3A_354 : vector<16xf32>
        %add3A_356 = arith.constant 0 : i32
        %add3A_357 = arith.addi %add3A_356, %scan3A_341 : i32
        %get3A_358 = arith.index_cast %add3A_357 : i32 to index
        %get3A_359 = arith.constant 32 : index
        %get3A_360 = tpu.vector_load %arg6[%get3A_358, %get3A_359] {strides = array<i32>} : memref<100x64xf32, #tpu.memory_space<vmem>>, vector<1x16xf32>,
        %get3A_361 = vector.shape_cast %get3A_360 : vector<1x16xf32> to vector<16xf32>
        %add3A_362 = arith.addf %add3A_332, %get3A_361 : vector<16xf32>
        %add3A_363 = arith.constant 0 : i32
        %add3A_364 = arith.addi %add3A_363, %scan3A_341 : i32
        %get3A_365 = arith.index_cast %add3A_364 : i32 to index
        %get3A_366 = arith.constant 48 : index
        %get3A_367 = tpu.vector_load %arg6[%get3A_365, %get3A_366] {strides = array<i32>} : memref<100x64xf32, #tpu.memory_space<vmem>>, vector<1x16xf32>,
        %get3A_368 = vector.shape_cast %get3A_367 : vector<1x16xf32> to vector<16xf32>
        %add3A_369 = arith.addf %add3A_339, %get3A_368 : vector<16xf32>
        %scan3A_370 = arith.constant 4 : i32
        %scan3A_371 = arith.addi %scan3A_248, %scan3A_370 : i32
        %add3A_372 = arith.constant 0 : i32
        %add3A_373 = arith.addi %add3A_372, %scan3A_371 : i32
        %get3A_374 = arith.index_cast %add3A_373 : i32 to index
        %get3A_375 = arith.constant 0 : index
        %get3A_376 = tpu.vector_load %arg6[%get3A_374, %get3A_375] {strides = array<i32>} : memref<100x64xf32, #tpu.memory_space<vmem>>, vector<1x16xf32>,
        %get3A_377 = vector.shape_cast %get3A_376 : vector<1x16xf32> to vector<16xf32>
        %add3A_378 = arith.addf %add3A_348, %get3A_377 : vector<16xf32>
        %add3A_379 = arith.constant 0 : i32
        %add3A_380 = arith.addi %add3A_379, %scan3A_371 : i32
        %get3A_381 = arith.index_cast %add3A_380 : i32 to index
        %get3A_382 = arith.constant 16 : index
        %get3A_383 = tpu.vector_load %arg6[%get3A_381, %get3A_382] {strides = array<i32>} : memref<100x64xf32, #tpu.memory_space<vmem>>, vector<1x16xf32>,
        %get3A_384 = vector.shape_cast %get3A_383 : vector<1x16xf32> to vector<16xf32>
        %add3A_385 = arith.addf %add3A_355, %get3A_384 : vector<16xf32>
        %add3A_386 = arith.constant 0 : i32
        %add3A_387 = arith.addi %add3A_386, %scan3A_371 : i32
        %get3A_388 = arith.index_cast %add3A_387 : i32 to index
        %get3A_389 = arith.constant 32 : index
        %get3A_390 = tpu.vector_load %arg6[%get3A_388, %get3A_389] {strides = array<i32>} : memref<100x64xf32, #tpu.memory_space<vmem>>, vector<1x16xf32>,
        %get3A_391 = vector.shape_cast %get3A_390 : vector<1x16xf32> to vector<16xf32>
        %add3A_392 = arith.addf %add3A_362, %get3A_391 : vector<16xf32>
        %add3A_393 = arith.constant 0 : i32
        %add3A_394 = arith.addi %add3A_393, %scan3A_371 : i32
        %get3A_395 = arith.index_cast %add3A_394 : i32 to index
        %get3A_396 = arith.constant 48 : index
        %get3A_397 = tpu.vector_load %arg6[%get3A_395, %get3A_396] {strides = array<i32>} : memref<100x64xf32, #tpu.memory_space<vmem>>, vector<1x16xf32>,
        %get3A_398 = vector.shape_cast %get3A_397 : vector<1x16xf32> to vector<16xf32>
        %add3A_399 = arith.addf %add3A_369, %get3A_398 : vector<16xf32>
        scf.yield %add3A_378, %add3A_385, %add3A_392, %add3A_399 : vector<16xf32>, vector<16xf32>, vector<16xf32>, vector<16xf32>
      }
      %scan3A_41 = arith.constant 50 : i32
      %mul3A_42 = arith.constant 2 : i32
      %mul3A_43 = arith.muli %mul3A_23, %mul3A_42 : i32
      %add3A_44 = arith.constant 0 : i32
      %add3A_45 = arith.addi %mul3A_43, %add3A_44 : i32
      %mul3A_46 = arith.constant 2.000000e-02 : f32
      %mul3A_47 = vector.broadcast %mul3A_46 : f32 to vector<16xf32>
      %mul3A_48 = arith.mulf %scan3A_40#0, %mul3A_47 : vector<16xf32>
      %swap3A = arith.index_cast %add3A_45 : i32 to index
      %swap3A_49 = arith.constant 0 : index
      %swap3A_50 = tpu.vector_load %arg8[%swap3A, %swap3A_49] {strides = array<i32>} : memref<512x64xf32, #tpu.memory_space<vmem>>, vector<1x16xf32>,
      %swap3A_51 = vector.shape_cast %swap3A_50 : vector<1x16xf32> to vector<16xf32>
      %swap3A_52 = vector.shape_cast %mul3A_48 : vector<16xf32> to vector<1x16xf32>
      tpu.vector_store %arg8[%swap3A, %swap3A_49], %swap3A_52 {strides = array<i32>} : memref<512x64xf32, #tpu.memory_space<vmem>>, vector<1x16xf32>,
      %mul3A_53 = arith.constant 2.000000e-02 : f32
      %mul3A_54 = vector.broadcast %mul3A_53 : f32 to vector<16xf32>
      %mul3A_55 = arith.mulf %scan3A_40#1, %mul3A_54 : vector<16xf32>
      %swap3A_56 = arith.index_cast %add3A_45 : i32 to index
      %swap3A_57 = arith.constant 16 : index
      %swap3A_58 = tpu.vector_load %arg8[%swap3A_56, %swap3A_57] {strides = array<i32>} : memref<512x64xf32, #tpu.memory_space<vmem>>, vector<1x16xf32>,
      %swap3A_59 = vector.shape_cast %swap3A_58 : vector<1x16xf32> to vector<16xf32>
      %swap3A_60 = vector.shape_cast %mul3A_55 : vector<16xf32> to vector<1x16xf32>
      tpu.vector_store %arg8[%swap3A_56, %swap3A_57], %swap3A_60 {strides = array<i32>} : memref<512x64xf32, #tpu.memory_space<vmem>>, vector<1x16xf32>,
      %mul3A_61 = arith.constant 2.000000e-02 : f32
      %mul3A_62 = vector.broadcast %mul3A_61 : f32 to vector<16xf32>
      %mul3A_63 = arith.mulf %scan3A_40#2, %mul3A_62 : vector<16xf32>
      %swap3A_64 = arith.index_cast %add3A_45 : i32 to index
      %swap3A_65 = arith.constant 32 : index
      %swap3A_66 = tpu.vector_load %arg8[%swap3A_64, %swap3A_65] {strides = array<i32>} : memref<512x64xf32, #tpu.memory_space<vmem>>, vector<1x16xf32>,
      %swap3A_67 = vector.shape_cast %swap3A_66 : vector<1x16xf32> to vector<16xf32>
      %swap3A_68 = vector.shape_cast %mul3A_63 : vector<16xf32> to vector<1x16xf32>
      tpu.vector_store %arg8[%swap3A_64, %swap3A_65], %swap3A_68 {strides = array<i32>} : memref<512x64xf32, #tpu.memory_space<vmem>>, vector<1x16xf32>,
      %mul3A_69 = arith.constant 2.000000e-02 : f32
      %mul3A_70 = vector.broadcast %mul3A_69 : f32 to vector<16xf32>
      %mul3A_71 = arith.mulf %scan3A_40#3, %mul3A_70 : vector<16xf32>
      %swap3A_72 = arith.index_cast %add3A_45 : i32 to index
      %swap3A_73 = arith.constant 48 : index
      %swap3A_74 = tpu.vector_load %arg8[%swap3A_72, %swap3A_73] {strides = array<i32>} : memref<512x64xf32, #tpu.memory_space<vmem>>, vector<1x16xf32>,
      %swap3A_75 = vector.shape_cast %swap3A_74 : vector<1x16xf32> to vector<16xf32>
      %swap3A_76 = vector.shape_cast %mul3A_71 : vector<16xf32> to vector<1x16xf32>
      tpu.vector_store %arg8[%swap3A_72, %swap3A_73], %swap3A_76 {strides = array<i32>} : memref<512x64xf32, #tpu.memory_space<vmem>>, vector<1x16xf32>,
      %broadcast_in_dim3A_77 = arith.constant 0.000000e+00 : f32
      %broadcast_in_dim3A_78 = vector.broadcast %broadcast_in_dim3A_77 : f32 to vector<16xf32>
      %broadcast_in_dim3A_79 = arith.constant 0.000000e+00 : f32
      %broadcast_in_dim3A_80 = vector.broadcast %broadcast_in_dim3A_79 : f32 to vector<16xf32>
      %broadcast_in_dim3A_81 = arith.constant 0.000000e+00 : f32
      %broadcast_in_dim3A_82 = vector.broadcast %broadcast_in_dim3A_81 : f32 to vector<16xf32>
      %broadcast_in_dim3A_83 = arith.constant 0.000000e+00 : f32
      %broadcast_in_dim3A_84 = vector.broadcast %broadcast_in_dim3A_83 : f32 to vector<16xf32>
      %scan3A_85 = arith.constant 0 : i32
      %scan3A_86 = arith.constant 50 : i32
      %scan3A_87 = arith.addi %scan3A_85, %scan3A_86 : i32
      %scan3A_88 = arith.constant 5 : i32
      %scan3A_89:4 = scf.for %scan3A_248 = %scan3A_85 to %scan3A_87 step %scan3A_88 iter_args(%scan3A_249 = %broadcast_in_dim3A_78, %scan3A_250 = %broadcast_in_dim3A_80, %scan3A_251 = %broadcast_in_dim3A_82, %scan3A_252 = %broadcast_in_dim3A_84) -> (vector<16xf32>, vector<16xf32>, vector<16xf32>, vector<16xf32>)  : i32 {
        %add3A_253 = arith.constant 50 : i32
        %add3A_254 = arith.addi %add3A_253, %scan3A_248 : i32
        %get3A = arith.index_cast %add3A_254 : i32 to index
        %get3A_255 = arith.constant 0 : index
        %get3A_256 = tpu.vector_load %arg6[%get3A, %get3A_255] {strides = array<i32>} : memref<100x64xf32, #tpu.memory_space<vmem>>, vector<1x16xf32>,
        %get3A_257 = vector.shape_cast %get3A_256 : vector<1x16xf32> to vector<16xf32>
        %add3A_258 = arith.addf %scan3A_249, %get3A_257 : vector<16xf32>
        %add3A_259 = arith.constant 50 : i32
        %add3A_260 = arith.addi %add3A_259, %scan3A_248 : i32
        %get3A_261 = arith.index_cast %add3A_260 : i32 to index
        %get3A_262 = arith.constant 16 : index
        %get3A_263 = tpu.vector_load %arg6[%get3A_261, %get3A_262] {strides = array<i32>} : memref<100x64xf32, #tpu.memory_space<vmem>>, vector<1x16xf32>,
        %get3A_264 = vector.shape_cast %get3A_263 : vector<1x16xf32> to vector<16xf32>
        %add3A_265 = arith.addf %scan3A_250, %get3A_264 : vector<16xf32>
        %add3A_266 = arith.constant 50 : i32
        %add3A_267 = arith.addi %add3A_266, %scan3A_248 : i32
        %get3A_268 = arith.index_cast %add3A_267 : i32 to index
        %get3A_269 = arith.constant 32 : index
        %get3A_270 = tpu.vector_load %arg6[%get3A_268, %get3A_269] {strides = array<i32>} : memref<100x64xf32, #tpu.memory_space<vmem>>, vector<1x16xf32>,
        %get3A_271 = vector.shape_cast %get3A_270 : vector<1x16xf32> to vector<16xf32>
        %add3A_272 = arith.addf %scan3A_251, %get3A_271 : vector<16xf32>
        %add3A_273 = arith.constant 50 : i32
        %add3A_274 = arith.addi %add3A_273, %scan3A_248 : i32
        %get3A_275 = arith.index_cast %add3A_274 : i32 to index
        %get3A_276 = arith.constant 48 : index
        %get3A_277 = tpu.vector_load %arg6[%get3A_275, %get3A_276] {strides = array<i32>} : memref<100x64xf32, #tpu.memory_space<vmem>>, vector<1x16xf32>,
        %get3A_278 = vector.shape_cast %get3A_277 : vector<1x16xf32> to vector<16xf32>
        %add3A_279 = arith.addf %scan3A_252, %get3A_278 : vector<16xf32>
        %scan3A_280 = arith.constant 1 : i32
        %scan3A_281 = arith.addi %scan3A_248, %scan3A_280 : i32
        %add3A_282 = arith.constant 50 : i32
        %add3A_283 = arith.addi %add3A_282, %scan3A_281 : i32
        %get3A_284 = arith.index_cast %add3A_283 : i32 to index
        %get3A_285 = arith.constant 0 : index
        %get3A_286 = tpu.vector_load %arg6[%get3A_284, %get3A_285] {strides = array<i32>} : memref<100x64xf32, #tpu.memory_space<vmem>>, vector<1x16xf32>,
        %get3A_287 = vector.shape_cast %get3A_286 : vector<1x16xf32> to vector<16xf32>
        %add3A_288 = arith.addf %add3A_258, %get3A_287 : vector<16xf32>
        %add3A_289 = arith.constant 50 : i32
        %add3A_290 = arith.addi %add3A_289, %scan3A_281 : i32
        %get3A_291 = arith.index_cast %add3A_290 : i32 to index
        %get3A_292 = arith.constant 16 : index
        %get3A_293 = tpu.vector_load %arg6[%get3A_291, %get3A_292] {strides = array<i32>} : memref<100x64xf32, #tpu.memory_space<vmem>>, vector<1x16xf32>,
        %get3A_294 = vector.shape_cast %get3A_293 : vector<1x16xf32> to vector<16xf32>
        %add3A_295 = arith.addf %add3A_265, %get3A_294 : vector<16xf32>
        %add3A_296 = arith.constant 50 : i32
        %add3A_297 = arith.addi %add3A_296, %scan3A_281 : i32
        %get3A_298 = arith.index_cast %add3A_297 : i32 to index
        %get3A_299 = arith.constant 32 : index
        %get3A_300 = tpu.vector_load %arg6[%get3A_298, %get3A_299] {strides = array<i32>} : memref<100x64xf32, #tpu.memory_space<vmem>>, vector<1x16xf32>,
        %get3A_301 = vector.shape_cast %get3A_300 : vector<1x16xf32> to vector<16xf32>
        %add3A_302 = arith.addf %add3A_272, %get3A_301 : vector<16xf32>
        %add3A_303 = arith.constant 50 : i32
        %add3A_304 = arith.addi %add3A_303, %scan3A_281 : i32
        %get3A_305 = arith.index_cast %add3A_304 : i32 to index
        %get3A_306 = arith.constant 48 : index
        %get3A_307 = tpu.vector_load %arg6[%get3A_305, %get3A_306] {strides = array<i32>} : memref<100x64xf32, #tpu.memory_space<vmem>>, vector<1x16xf32>,
        %get3A_308 = vector.shape_cast %get3A_307 : vector<1x16xf32> to vector<16xf32>
        %add3A_309 = arith.addf %add3A_279, %get3A_308 : vector<16xf32>
        %scan3A_310 = arith.constant 2 : i32
        %scan3A_311 = arith.addi %scan3A_248, %scan3A_310 : i32
        %add3A_312 = arith.constant 50 : i32
        %add3A_313 = arith.addi %add3A_312, %scan3A_311 : i32
        %get3A_314 = arith.index_cast %add3A_313 : i32 to index
        %get3A_315 = arith.constant 0 : index
        %get3A_316 = tpu.vector_load %arg6[%get3A_314, %get3A_315] {strides = array<i32>} : memref<100x64xf32, #tpu.memory_space<vmem>>, vector<1x16xf32>,
        %get3A_317 = vector.shape_cast %get3A_316 : vector<1x16xf32> to vector<16xf32>
        %add3A_318 = arith.addf %add3A_288, %get3A_317 : vector<16xf32>
        %add3A_319 = arith.constant 50 : i32
        %add3A_320 = arith.addi %add3A_319, %scan3A_311 : i32
        %get3A_321 = arith.index_cast %add3A_320 : i32 to index
        %get3A_322 = arith.constant 16 : index
        %get3A_323 = tpu.vector_load %arg6[%get3A_321, %get3A_322] {strides = array<i32>} : memref<100x64xf32, #tpu.memory_space<vmem>>, vector<1x16xf32>,
        %get3A_324 = vector.shape_cast %get3A_323 : vector<1x16xf32> to vector<16xf32>
        %add3A_325 = arith.addf %add3A_295, %get3A_324 : vector<16xf32>
        %add3A_326 = arith.constant 50 : i32
        %add3A_327 = arith.addi %add3A_326, %scan3A_311 : i32
        %get3A_328 = arith.index_cast %add3A_327 : i32 to index
        %get3A_329 = arith.constant 32 : index
        %get3A_330 = tpu.vector_load %arg6[%get3A_328, %get3A_329] {strides = array<i32>} : memref<100x64xf32, #tpu.memory_space<vmem>>, vector<1x16xf32>,
        %get3A_331 = vector.shape_cast %get3A_330 : vector<1x16xf32> to vector<16xf32>
        %add3A_332 = arith.addf %add3A_302, %get3A_331 : vector<16xf32>
        %add3A_333 = arith.constant 50 : i32
        %add3A_334 = arith.addi %add3A_333, %scan3A_311 : i32
        %get3A_335 = arith.index_cast %add3A_334 : i32 to index
        %get3A_336 = arith.constant 48 : index
        %get3A_337 = tpu.vector_load %arg6[%get3A_335, %get3A_336] {strides = array<i32>} : memref<100x64xf32, #tpu.memory_space<vmem>>, vector<1x16xf32>,
        %get3A_338 = vector.shape_cast %get3A_337 : vector<1x16xf32> to vector<16xf32>
        %add3A_339 = arith.addf %add3A_309, %get3A_338 : vector<16xf32>
        %scan3A_340 = arith.constant 3 : i32
        %scan3A_341 = arith.addi %scan3A_248, %scan3A_340 : i32
        %add3A_342 = arith.constant 50 : i32
        %add3A_343 = arith.addi %add3A_342, %scan3A_341 : i32
        %get3A_344 = arith.index_cast %add3A_343 : i32 to index
        %get3A_345 = arith.constant 0 : index
        %get3A_346 = tpu.vector_load %arg6[%get3A_344, %get3A_345] {strides = array<i32>} : memref<100x64xf32, #tpu.memory_space<vmem>>, vector<1x16xf32>,
        %get3A_347 = vector.shape_cast %get3A_346 : vector<1x16xf32> to vector<16xf32>
        %add3A_348 = arith.addf %add3A_318, %get3A_347 : vector<16xf32>
        %add3A_349 = arith.constant 50 : i32
        %add3A_350 = arith.addi %add3A_349, %scan3A_341 : i32
        %get3A_351 = arith.index_cast %add3A_350 : i32 to index
        %get3A_352 = arith.constant 16 : index
        %get3A_353 = tpu.vector_load %arg6[%get3A_351, %get3A_352] {strides = array<i32>} : memref<100x64xf32, #tpu.memory_space<vmem>>, vector<1x16xf32>,
        %get3A_354 = vector.shape_cast %get3A_353 : vector<1x16xf32> to vector<16xf32>
        %add3A_355 = arith.addf %add3A_325, %get3A_354 : vector<16xf32>
        %add3A_356 = arith.constant 50 : i32
        %add3A_357 = arith.addi %add3A_356, %scan3A_341 : i32
        %get3A_358 = arith.index_cast %add3A_357 : i32 to index
        %get3A_359 = arith.constant 32 : index
        %get3A_360 = tpu.vector_load %arg6[%get3A_358, %get3A_359] {strides = array<i32>} : memref<100x64xf32, #tpu.memory_space<vmem>>, vector<1x16xf32>,
        %get3A_361 = vector.shape_cast %get3A_360 : vector<1x16xf32> to vector<16xf32>
        %add3A_362 = arith.addf %add3A_332, %get3A_361 : vector<16xf32>
        %add3A_363 = arith.constant 50 : i32
        %add3A_364 = arith.addi %add3A_363, %scan3A_341 : i32
        %get3A_365 = arith.index_cast %add3A_364 : i32 to index
        %get3A_366 = arith.constant 48 : index
        %get3A_367 = tpu.vector_load %arg6[%get3A_365, %get3A_366] {strides = array<i32>} : memref<100x64xf32, #tpu.memory_space<vmem>>, vector<1x16xf32>,
        %get3A_368 = vector.shape_cast %get3A_367 : vector<1x16xf32> to vector<16xf32>
        %add3A_369 = arith.addf %add3A_339, %get3A_368 : vector<16xf32>
        %scan3A_370 = arith.constant 4 : i32
        %scan3A_371 = arith.addi %scan3A_248, %scan3A_370 : i32
        %add3A_372 = arith.constant 50 : i32
        %add3A_373 = arith.addi %add3A_372, %scan3A_371 : i32
        %get3A_374 = arith.index_cast %add3A_373 : i32 to index
        %get3A_375 = arith.constant 0 : index
        %get3A_376 = tpu.vector_load %arg6[%get3A_374, %get3A_375] {strides = array<i32>} : memref<100x64xf32, #tpu.memory_space<vmem>>, vector<1x16xf32>,
        %get3A_377 = vector.shape_cast %get3A_376 : vector<1x16xf32> to vector<16xf32>
        %add3A_378 = arith.addf %add3A_348, %get3A_377 : vector<16xf32>
        %add3A_379 = arith.constant 50 : i32
        %add3A_380 = arith.addi %add3A_379, %scan3A_371 : i32
        %get3A_381 = arith.index_cast %add3A_380 : i32 to index
        %get3A_382 = arith.constant 16 : index
        %get3A_383 = tpu.vector_load %arg6[%get3A_381, %get3A_382] {strides = array<i32>} : memref<100x64xf32, #tpu.memory_space<vmem>>, vector<1x16xf32>,
        %get3A_384 = vector.shape_cast %get3A_383 : vector<1x16xf32> to vector<16xf32>
        %add3A_385 = arith.addf %add3A_355, %get3A_384 : vector<16xf32>
        %add3A_386 = arith.constant 50 : i32
        %add3A_387 = arith.addi %add3A_386, %scan3A_371 : i32
        %get3A_388 = arith.index_cast %add3A_387 : i32 to index
        %get3A_389 = arith.constant 32 : index
        %get3A_390 = tpu.vector_load %arg6[%get3A_388, %get3A_389] {strides = array<i32>} : memref<100x64xf32, #tpu.memory_space<vmem>>, vector<1x16xf32>,
        %get3A_391 = vector.shape_cast %get3A_390 : vector<1x16xf32> to vector<16xf32>
        %add3A_392 = arith.addf %add3A_362, %get3A_391 : vector<16xf32>
        %add3A_393 = arith.constant 50 : i32
        %add3A_394 = arith.addi %add3A_393, %scan3A_371 : i32
        %get3A_395 = arith.index_cast %add3A_394 : i32 to index
        %get3A_396 = arith.constant 48 : index
        %get3A_397 = tpu.vector_load %arg6[%get3A_395, %get3A_396] {strides = array<i32>} : memref<100x64xf32, #tpu.memory_space<vmem>>, vector<1x16xf32>,
        %get3A_398 = vector.shape_cast %get3A_397 : vector<1x16xf32> to vector<16xf32>
        %add3A_399 = arith.addf %add3A_369, %get3A_398 : vector<16xf32>
        scf.yield %add3A_378, %add3A_385, %add3A_392, %add3A_399 : vector<16xf32>, vector<16xf32>, vector<16xf32>, vector<16xf32>
      }
      %scan3A_90 = arith.constant 50 : i32
      %mul3A_91 = arith.constant 2 : i32
      %mul3A_92 = arith.muli %mul3A_23, %mul3A_91 : i32
      %add3A_93 = arith.constant 1 : i32
      %add3A_94 = arith.addi %mul3A_92, %add3A_93 : i32
      %mul3A_95 = arith.constant 2.000000e-02 : f32
      %mul3A_96 = vector.broadcast %mul3A_95 : f32 to vector<16xf32>
      %mul3A_97 = arith.mulf %scan3A_89#0, %mul3A_96 : vector<16xf32>
      %swap3A_98 = arith.index_cast %add3A_94 : i32 to index
      %swap3A_99 = arith.constant 0 : index
      %swap3A_100 = tpu.vector_load %arg8[%swap3A_98, %swap3A_99] {strides = array<i32>} : memref<512x64xf32, #tpu.memory_space<vmem>>, vector<1x16xf32>,
      %swap3A_101 = vector.shape_cast %swap3A_100 : vector<1x16xf32> to vector<16xf32>
      %swap3A_102 = vector.shape_cast %mul3A_97 : vector<16xf32> to vector<1x16xf32>
      tpu.vector_store %arg8[%swap3A_98, %swap3A_99], %swap3A_102 {strides = array<i32>} : memref<512x64xf32, #tpu.memory_space<vmem>>, vector<1x16xf32>,
      %mul3A_103 = arith.constant 2.000000e-02 : f32
      %mul3A_104 = vector.broadcast %mul3A_103 : f32 to vector<16xf32>
      %mul3A_105 = arith.mulf %scan3A_89#1, %mul3A_104 : vector<16xf32>
      %swap3A_106 = arith.index_cast %add3A_94 : i32 to index
      %swap3A_107 = arith.constant 16 : index
      %swap3A_108 = tpu.vector_load %arg8[%swap3A_106, %swap3A_107] {strides = array<i32>} : memref<512x64xf32, #tpu.memory_space<vmem>>, vector<1x16xf32>,
      %swap3A_109 = vector.shape_cast %swap3A_108 : vector<1x16xf32> to vector<16xf32>
      %swap3A_110 = vector.shape_cast %mul3A_105 : vector<16xf32> to vector<1x16xf32>
      tpu.vector_store %arg8[%swap3A_106, %swap3A_107], %swap3A_110 {strides = array<i32>} : memref<512x64xf32, #tpu.memory_space<vmem>>, vector<1x16xf32>,
      %mul3A_111 = arith.constant 2.000000e-02 : f32
      %mul3A_112 = vector.broadcast %mul3A_111 : f32 to vector<16xf32>
      %mul3A_113 = arith.mulf %scan3A_89#2, %mul3A_112 : vector<16xf32>
      %swap3A_114 = arith.index_cast %add3A_94 : i32 to index
      %swap3A_115 = arith.constant 32 : index
      %swap3A_116 = tpu.vector_load %arg8[%swap3A_114, %swap3A_115] {strides = array<i32>} : memref<512x64xf32, #tpu.memory_space<vmem>>, vector<1x16xf32>,
      %swap3A_117 = vector.shape_cast %swap3A_116 : vector<1x16xf32> to vector<16xf32>
      %swap3A_118 = vector.shape_cast %mul3A_113 : vector<16xf32> to vector<1x16xf32>
      tpu.vector_store %arg8[%swap3A_114, %swap3A_115], %swap3A_118 {strides = array<i32>} : memref<512x64xf32, #tpu.memory_space<vmem>>, vector<1x16xf32>,
      %mul3A_119 = arith.constant 2.000000e-02 : f32
      %mul3A_120 = vector.broadcast %mul3A_119 : f32 to vector<16xf32>
      %mul3A_121 = arith.mulf %scan3A_89#3, %mul3A_120 : vector<16xf32>
      %swap3A_122 = arith.index_cast %add3A_94 : i32 to index
      %swap3A_123 = arith.constant 48 : index
      %swap3A_124 = tpu.vector_load %arg8[%swap3A_122, %swap3A_123] {strides = array<i32>} : memref<512x64xf32, #tpu.memory_space<vmem>>, vector<1x16xf32>,
      %swap3A_125 = vector.shape_cast %swap3A_124 : vector<1x16xf32> to vector<16xf32>
      %swap3A_126 = vector.shape_cast %mul3A_121 : vector<16xf32> to vector<1x16xf32>
      tpu.vector_store %arg8[%swap3A_122, %swap3A_123], %swap3A_126 {strides = array<i32>} : memref<512x64xf32, #tpu.memory_space<vmem>>, vector<1x16xf32>,
      %add3A_127 = arith.constant 2 : i32
      %add3A_128 = arith.addi %mul3A_23, %add3A_127 : i32
      %lt3A = arith.constant 256 : i32
      %lt3A_129 = arith.cmpi slt, %add3A_128, %lt3A : i32
      %convert_element_type3A = arith.extui %lt3A_129 : i1 to i32
      %cond3A = arith.constant 0 : i32
      %cond3A_130 = arith.cmpi ne, %convert_element_type3A, %cond3A : i32
      scf.if %cond3A_130 {
        %add3A_248 = arith.constant 2 : i32
        %add3A_249 = arith.addi %mul3A_23, %add3A_248 : i32
        %dma_start3A_250 = arith.constant 0 : i32
        %dma_start3A_251 = tpu.memref_slice %arg5[%add3A_249, %dma_start3A_250] : memref<256x100xi32, #tpu.memory_space<vmem>> -> memref<1x100xi32, #tpu.memory_space<vmem>>
        %dma_start3A_252 = tpu.memref_squeeze %dma_start3A_251 : memref<1x100xi32, #tpu.memory_space<vmem>> -> memref<100xi32, #tpu.memory_space<vmem>>
        %dma_start3A_253 = arith.constant 0 : i32
        %dma_start3A_254 = arith.constant 0 : i32
        %dma_start3A_255 = tpu.memref_slice %arg3[%dma_start3A_253, %dma_start3A_254] : memref<1003520x64xf32, #tpu.memory_space<hbm>> -> memref<1003520x64xf32, #tpu.memory_space<hbm>>
        tpu.enqueue_indirect_dma source(%dma_start3A_255 : memref<1003520x64xf32, #tpu.memory_space<hbm>>) target(%arg6 : memref<100x64xf32, #tpu.memory_space<vmem>>) offsets(%dma_start3A_252 : memref<100xi32, #tpu.memory_space<vmem>>) semaphore(%arg9 : memref<!tpu.dma_semaphore, #tpu.memory_space<semaphore_mem>>)
      } else {
      }
      %add3A_131 = arith.constant 1 : i32
      %add3A_132 = arith.addi %mul3A_23, %add3A_131 : i32
      %dma_wait3A_133 = arith.constant 0 : i32
      %dma_wait3A_134 = tpu.memref_slice %arg5[%add3A_132, %dma_wait3A_133] : memref<256x100xi32, #tpu.memory_space<vmem>> -> memref<1x100xi32, #tpu.memory_space<vmem>>
      %dma_wait3A_135 = tpu.memref_squeeze %dma_wait3A_134 : memref<1x100xi32, #tpu.memory_space<vmem>> -> memref<100xi32, #tpu.memory_space<vmem>>
      %dma_wait3A_136 = arith.constant 0 : i32
      %dma_wait3A_137 = arith.constant 0 : i32
      %dma_wait3A_138 = tpu.memref_slice %arg3[%dma_wait3A_136, %dma_wait3A_137] : memref<1003520x64xf32, #tpu.memory_space<hbm>> -> memref<1003520x64xf32, #tpu.memory_space<hbm>>
      tpu.wait_indirect_dma semaphore(%arg10 : memref<!tpu.dma_semaphore, #tpu.memory_space<semaphore_mem>>) src(%dma_wait3A_138 : memref<1003520x64xf32, #tpu.memory_space<hbm>>) dst(%arg7 : memref<100x64xf32, #tpu.memory_space<vmem>>)
      %add3A_139 = arith.constant 1 : i32
      %add3A_140 = arith.addi %mul3A_23, %add3A_139 : i32
      %broadcast_in_dim3A_141 = arith.constant 0.000000e+00 : f32
      %broadcast_in_dim3A_142 = vector.broadcast %broadcast_in_dim3A_141 : f32 to vector<16xf32>
      %broadcast_in_dim3A_143 = arith.constant 0.000000e+00 : f32
      %broadcast_in_dim3A_144 = vector.broadcast %broadcast_in_dim3A_143 : f32 to vector<16xf32>
      %broadcast_in_dim3A_145 = arith.constant 0.000000e+00 : f32
      %broadcast_in_dim3A_146 = vector.broadcast %broadcast_in_dim3A_145 : f32 to vector<16xf32>
      %broadcast_in_dim3A_147 = arith.constant 0.000000e+00 : f32
      %broadcast_in_dim3A_148 = vector.broadcast %broadcast_in_dim3A_147 : f32 to vector<16xf32>
      %scan3A_149 = arith.constant 0 : i32
      %scan3A_150 = arith.constant 50 : i32
      %scan3A_151 = arith.addi %scan3A_149, %scan3A_150 : i32
      %scan3A_152 = arith.constant 5 : i32
      %scan3A_153:4 = scf.for %scan3A_248 = %scan3A_149 to %scan3A_151 step %scan3A_152 iter_args(%scan3A_249 = %broadcast_in_dim3A_142, %scan3A_250 = %broadcast_in_dim3A_144, %scan3A_251 = %broadcast_in_dim3A_146, %scan3A_252 = %broadcast_in_dim3A_148) -> (vector<16xf32>, vector<16xf32>, vector<16xf32>, vector<16xf32>)  : i32 {
        %add3A_253 = arith.constant 0 : i32
        %add3A_254 = arith.addi %add3A_253, %scan3A_248 : i32
        %get3A = arith.index_cast %add3A_254 : i32 to index
        %get3A_255 = arith.constant 0 : index
        %get3A_256 = tpu.vector_load %arg7[%get3A, %get3A_255] {strides = array<i32>} : memref<100x64xf32, #tpu.memory_space<vmem>>, vector<1x16xf32>,
        %get3A_257 = vector.shape_cast %get3A_256 : vector<1x16xf32> to vector<16xf32>
        %add3A_258 = arith.addf %scan3A_249, %get3A_257 : vector<16xf32>
        %add3A_259 = arith.constant 0 : i32
        %add3A_260 = arith.addi %add3A_259, %scan3A_248 : i32
        %get3A_261 = arith.index_cast %add3A_260 : i32 to index
        %get3A_262 = arith.constant 16 : index
        %get3A_263 = tpu.vector_load %arg7[%get3A_261, %get3A_262] {strides = array<i32>} : memref<100x64xf32, #tpu.memory_space<vmem>>, vector<1x16xf32>,
        %get3A_264 = vector.shape_cast %get3A_263 : vector<1x16xf32> to vector<16xf32>
        %add3A_265 = arith.addf %scan3A_250, %get3A_264 : vector<16xf32>
        %add3A_266 = arith.constant 0 : i32
        %add3A_267 = arith.addi %add3A_266, %scan3A_248 : i32
        %get3A_268 = arith.index_cast %add3A_267 : i32 to index
        %get3A_269 = arith.constant 32 : index
        %get3A_270 = tpu.vector_load %arg7[%get3A_268, %get3A_269] {strides = array<i32>} : memref<100x64xf32, #tpu.memory_space<vmem>>, vector<1x16xf32>,
        %get3A_271 = vector.shape_cast %get3A_270 : vector<1x16xf32> to vector<16xf32>
        %add3A_272 = arith.addf %scan3A_251, %get3A_271 : vector<16xf32>
        %add3A_273 = arith.constant 0 : i32
        %add3A_274 = arith.addi %add3A_273, %scan3A_248 : i32
        %get3A_275 = arith.index_cast %add3A_274 : i32 to index
        %get3A_276 = arith.constant 48 : index
        %get3A_277 = tpu.vector_load %arg7[%get3A_275, %get3A_276] {strides = array<i32>} : memref<100x64xf32, #tpu.memory_space<vmem>>, vector<1x16xf32>,
        %get3A_278 = vector.shape_cast %get3A_277 : vector<1x16xf32> to vector<16xf32>
        %add3A_279 = arith.addf %scan3A_252, %get3A_278 : vector<16xf32>
        %scan3A_280 = arith.constant 1 : i32
        %scan3A_281 = arith.addi %scan3A_248, %scan3A_280 : i32
        %add3A_282 = arith.constant 0 : i32
        %add3A_283 = arith.addi %add3A_282, %scan3A_281 : i32
        %get3A_284 = arith.index_cast %add3A_283 : i32 to index
        %get3A_285 = arith.constant 0 : index
        %get3A_286 = tpu.vector_load %arg7[%get3A_284, %get3A_285] {strides = array<i32>} : memref<100x64xf32, #tpu.memory_space<vmem>>, vector<1x16xf32>,
        %get3A_287 = vector.shape_cast %get3A_286 : vector<1x16xf32> to vector<16xf32>
        %add3A_288 = arith.addf %add3A_258, %get3A_287 : vector<16xf32>
        %add3A_289 = arith.constant 0 : i32
        %add3A_290 = arith.addi %add3A_289, %scan3A_281 : i32
        %get3A_291 = arith.index_cast %add3A_290 : i32 to index
        %get3A_292 = arith.constant 16 : index
        %get3A_293 = tpu.vector_load %arg7[%get3A_291, %get3A_292] {strides = array<i32>} : memref<100x64xf32, #tpu.memory_space<vmem>>, vector<1x16xf32>,
        %get3A_294 = vector.shape_cast %get3A_293 : vector<1x16xf32> to vector<16xf32>
        %add3A_295 = arith.addf %add3A_265, %get3A_294 : vector<16xf32>
        %add3A_296 = arith.constant 0 : i32
        %add3A_297 = arith.addi %add3A_296, %scan3A_281 : i32
        %get3A_298 = arith.index_cast %add3A_297 : i32 to index
        %get3A_299 = arith.constant 32 : index
        %get3A_300 = tpu.vector_load %arg7[%get3A_298, %get3A_299] {strides = array<i32>} : memref<100x64xf32, #tpu.memory_space<vmem>>, vector<1x16xf32>,
        %get3A_301 = vector.shape_cast %get3A_300 : vector<1x16xf32> to vector<16xf32>
        %add3A_302 = arith.addf %add3A_272, %get3A_301 : vector<16xf32>
        %add3A_303 = arith.constant 0 : i32
        %add3A_304 = arith.addi %add3A_303, %scan3A_281 : i32
        %get3A_305 = arith.index_cast %add3A_304 : i32 to index
        %get3A_306 = arith.constant 48 : index
        %get3A_307 = tpu.vector_load %arg7[%get3A_305, %get3A_306] {strides = array<i32>} : memref<100x64xf32, #tpu.memory_space<vmem>>, vector<1x16xf32>,
        %get3A_308 = vector.shape_cast %get3A_307 : vector<1x16xf32> to vector<16xf32>
        %add3A_309 = arith.addf %add3A_279, %get3A_308 : vector<16xf32>
        %scan3A_310 = arith.constant 2 : i32
        %scan3A_311 = arith.addi %scan3A_248, %scan3A_310 : i32
        %add3A_312 = arith.constant 0 : i32
        %add3A_313 = arith.addi %add3A_312, %scan3A_311 : i32
        %get3A_314 = arith.index_cast %add3A_313 : i32 to index
        %get3A_315 = arith.constant 0 : index
        %get3A_316 = tpu.vector_load %arg7[%get3A_314, %get3A_315] {strides = array<i32>} : memref<100x64xf32, #tpu.memory_space<vmem>>, vector<1x16xf32>,
        %get3A_317 = vector.shape_cast %get3A_316 : vector<1x16xf32> to vector<16xf32>
        %add3A_318 = arith.addf %add3A_288, %get3A_317 : vector<16xf32>
        %add3A_319 = arith.constant 0 : i32
        %add3A_320 = arith.addi %add3A_319, %scan3A_311 : i32
        %get3A_321 = arith.index_cast %add3A_320 : i32 to index
        %get3A_322 = arith.constant 16 : index
        %get3A_323 = tpu.vector_load %arg7[%get3A_321, %get3A_322] {strides = array<i32>} : memref<100x64xf32, #tpu.memory_space<vmem>>, vector<1x16xf32>,
        %get3A_324 = vector.shape_cast %get3A_323 : vector<1x16xf32> to vector<16xf32>
        %add3A_325 = arith.addf %add3A_295, %get3A_324 : vector<16xf32>
        %add3A_326 = arith.constant 0 : i32
        %add3A_327 = arith.addi %add3A_326, %scan3A_311 : i32
        %get3A_328 = arith.index_cast %add3A_327 : i32 to index
        %get3A_329 = arith.constant 32 : index
        %get3A_330 = tpu.vector_load %arg7[%get3A_328, %get3A_329] {strides = array<i32>} : memref<100x64xf32, #tpu.memory_space<vmem>>, vector<1x16xf32>,
        %get3A_331 = vector.shape_cast %get3A_330 : vector<1x16xf32> to vector<16xf32>
        %add3A_332 = arith.addf %add3A_302, %get3A_331 : vector<16xf32>
        %add3A_333 = arith.constant 0 : i32
        %add3A_334 = arith.addi %add3A_333, %scan3A_311 : i32
        %get3A_335 = arith.index_cast %add3A_334 : i32 to index
        %get3A_336 = arith.constant 48 : index
        %get3A_337 = tpu.vector_load %arg7[%get3A_335, %get3A_336] {strides = array<i32>} : memref<100x64xf32, #tpu.memory_space<vmem>>, vector<1x16xf32>,
        %get3A_338 = vector.shape_cast %get3A_337 : vector<1x16xf32> to vector<16xf32>
        %add3A_339 = arith.addf %add3A_309, %get3A_338 : vector<16xf32>
        %scan3A_340 = arith.constant 3 : i32
        %scan3A_341 = arith.addi %scan3A_248, %scan3A_340 : i32
        %add3A_342 = arith.constant 0 : i32
        %add3A_343 = arith.addi %add3A_342, %scan3A_341 : i32
        %get3A_344 = arith.index_cast %add3A_343 : i32 to index
        %get3A_345 = arith.constant 0 : index
        %get3A_346 = tpu.vector_load %arg7[%get3A_344, %get3A_345] {strides = array<i32>} : memref<100x64xf32, #tpu.memory_space<vmem>>, vector<1x16xf32>,
        %get3A_347 = vector.shape_cast %get3A_346 : vector<1x16xf32> to vector<16xf32>
        %add3A_348 = arith.addf %add3A_318, %get3A_347 : vector<16xf32>
        %add3A_349 = arith.constant 0 : i32
        %add3A_350 = arith.addi %add3A_349, %scan3A_341 : i32
        %get3A_351 = arith.index_cast %add3A_350 : i32 to index
        %get3A_352 = arith.constant 16 : index
        %get3A_353 = tpu.vector_load %arg7[%get3A_351, %get3A_352] {strides = array<i32>} : memref<100x64xf32, #tpu.memory_space<vmem>>, vector<1x16xf32>,
        %get3A_354 = vector.shape_cast %get3A_353 : vector<1x16xf32> to vector<16xf32>
        %add3A_355 = arith.addf %add3A_325, %get3A_354 : vector<16xf32>
        %add3A_356 = arith.constant 0 : i32
        %add3A_357 = arith.addi %add3A_356, %scan3A_341 : i32
        %get3A_358 = arith.index_cast %add3A_357 : i32 to index
        %get3A_359 = arith.constant 32 : index
        %get3A_360 = tpu.vector_load %arg7[%get3A_358, %get3A_359] {strides = array<i32>} : memref<100x64xf32, #tpu.memory_space<vmem>>, vector<1x16xf32>,
        %get3A_361 = vector.shape_cast %get3A_360 : vector<1x16xf32> to vector<16xf32>
        %add3A_362 = arith.addf %add3A_332, %get3A_361 : vector<16xf32>
        %add3A_363 = arith.constant 0 : i32
        %add3A_364 = arith.addi %add3A_363, %scan3A_341 : i32
        %get3A_365 = arith.index_cast %add3A_364 : i32 to index
        %get3A_366 = arith.constant 48 : index
        %get3A_367 = tpu.vector_load %arg7[%get3A_365, %get3A_366] {strides = array<i32>} : memref<100x64xf32, #tpu.memory_space<vmem>>, vector<1x16xf32>,
        %get3A_368 = vector.shape_cast %get3A_367 : vector<1x16xf32> to vector<16xf32>
        %add3A_369 = arith.addf %add3A_339, %get3A_368 : vector<16xf32>
        %scan3A_370 = arith.constant 4 : i32
        %scan3A_371 = arith.addi %scan3A_248, %scan3A_370 : i32
        %add3A_372 = arith.constant 0 : i32
        %add3A_373 = arith.addi %add3A_372, %scan3A_371 : i32
        %get3A_374 = arith.index_cast %add3A_373 : i32 to index
        %get3A_375 = arith.constant 0 : index
        %get3A_376 = tpu.vector_load %arg7[%get3A_374, %get3A_375] {strides = array<i32>} : memref<100x64xf32, #tpu.memory_space<vmem>>, vector<1x16xf32>,
        %get3A_377 = vector.shape_cast %get3A_376 : vector<1x16xf32> to vector<16xf32>
        %add3A_378 = arith.addf %add3A_348, %get3A_377 : vector<16xf32>
        %add3A_379 = arith.constant 0 : i32
        %add3A_380 = arith.addi %add3A_379, %scan3A_371 : i32
        %get3A_381 = arith.index_cast %add3A_380 : i32 to index
        %get3A_382 = arith.constant 16 : index
        %get3A_383 = tpu.vector_load %arg7[%get3A_381, %get3A_382] {strides = array<i32>} : memref<100x64xf32, #tpu.memory_space<vmem>>, vector<1x16xf32>,
        %get3A_384 = vector.shape_cast %get3A_383 : vector<1x16xf32> to vector<16xf32>
        %add3A_385 = arith.addf %add3A_355, %get3A_384 : vector<16xf32>
        %add3A_386 = arith.constant 0 : i32
        %add3A_387 = arith.addi %add3A_386, %scan3A_371 : i32
        %get3A_388 = arith.index_cast %add3A_387 : i32 to index
        %get3A_389 = arith.constant 32 : index
        %get3A_390 = tpu.vector_load %arg7[%get3A_388, %get3A_389] {strides = array<i32>} : memref<100x64xf32, #tpu.memory_space<vmem>>, vector<1x16xf32>,
        %get3A_391 = vector.shape_cast %get3A_390 : vector<1x16xf32> to vector<16xf32>
        %add3A_392 = arith.addf %add3A_362, %get3A_391 : vector<16xf32>
        %add3A_393 = arith.constant 0 : i32
        %add3A_394 = arith.addi %add3A_393, %scan3A_371 : i32
        %get3A_395 = arith.index_cast %add3A_394 : i32 to index
        %get3A_396 = arith.constant 48 : index
        %get3A_397 = tpu.vector_load %arg7[%get3A_395, %get3A_396] {strides = array<i32>} : memref<100x64xf32, #tpu.memory_space<vmem>>, vector<1x16xf32>,
        %get3A_398 = vector.shape_cast %get3A_397 : vector<1x16xf32> to vector<16xf32>
        %add3A_399 = arith.addf %add3A_369, %get3A_398 : vector<16xf32>
        scf.yield %add3A_378, %add3A_385, %add3A_392, %add3A_399 : vector<16xf32>, vector<16xf32>, vector<16xf32>, vector<16xf32>
      }
      %scan3A_154 = arith.constant 50 : i32
      %mul3A_155 = arith.constant 2 : i32
      %mul3A_156 = arith.muli %add3A_140, %mul3A_155 : i32
      %add3A_157 = arith.constant 0 : i32
      %add3A_158 = arith.addi %mul3A_156, %add3A_157 : i32
      %mul3A_159 = arith.constant 2.000000e-02 : f32
      %mul3A_160 = vector.broadcast %mul3A_159 : f32 to vector<16xf32>
      %mul3A_161 = arith.mulf %scan3A_153#0, %mul3A_160 : vector<16xf32>
      %swap3A_162 = arith.index_cast %add3A_158 : i32 to index
      %swap3A_163 = arith.constant 0 : index
      %swap3A_164 = tpu.vector_load %arg8[%swap3A_162, %swap3A_163] {strides = array<i32>} : memref<512x64xf32, #tpu.memory_space<vmem>>, vector<1x16xf32>,
      %swap3A_165 = vector.shape_cast %swap3A_164 : vector<1x16xf32> to vector<16xf32>
      %swap3A_166 = vector.shape_cast %mul3A_161 : vector<16xf32> to vector<1x16xf32>
      tpu.vector_store %arg8[%swap3A_162, %swap3A_163], %swap3A_166 {strides = array<i32>} : memref<512x64xf32, #tpu.memory_space<vmem>>, vector<1x16xf32>,
      %mul3A_167 = arith.constant 2.000000e-02 : f32
      %mul3A_168 = vector.broadcast %mul3A_167 : f32 to vector<16xf32>
      %mul3A_169 = arith.mulf %scan3A_153#1, %mul3A_168 : vector<16xf32>
      %swap3A_170 = arith.index_cast %add3A_158 : i32 to index
      %swap3A_171 = arith.constant 16 : index
      %swap3A_172 = tpu.vector_load %arg8[%swap3A_170, %swap3A_171] {strides = array<i32>} : memref<512x64xf32, #tpu.memory_space<vmem>>, vector<1x16xf32>,
      %swap3A_173 = vector.shape_cast %swap3A_172 : vector<1x16xf32> to vector<16xf32>
      %swap3A_174 = vector.shape_cast %mul3A_169 : vector<16xf32> to vector<1x16xf32>
      tpu.vector_store %arg8[%swap3A_170, %swap3A_171], %swap3A_174 {strides = array<i32>} : memref<512x64xf32, #tpu.memory_space<vmem>>, vector<1x16xf32>,
      %mul3A_175 = arith.constant 2.000000e-02 : f32
      %mul3A_176 = vector.broadcast %mul3A_175 : f32 to vector<16xf32>
      %mul3A_177 = arith.mulf %scan3A_153#2, %mul3A_176 : vector<16xf32>
      %swap3A_178 = arith.index_cast %add3A_158 : i32 to index
      %swap3A_179 = arith.constant 32 : index
      %swap3A_180 = tpu.vector_load %arg8[%swap3A_178, %swap3A_179] {strides = array<i32>} : memref<512x64xf32, #tpu.memory_space<vmem>>, vector<1x16xf32>,
      %swap3A_181 = vector.shape_cast %swap3A_180 : vector<1x16xf32> to vector<16xf32>
      %swap3A_182 = vector.shape_cast %mul3A_177 : vector<16xf32> to vector<1x16xf32>
      tpu.vector_store %arg8[%swap3A_178, %swap3A_179], %swap3A_182 {strides = array<i32>} : memref<512x64xf32, #tpu.memory_space<vmem>>, vector<1x16xf32>,
      %mul3A_183 = arith.constant 2.000000e-02 : f32
      %mul3A_184 = vector.broadcast %mul3A_183 : f32 to vector<16xf32>
      %mul3A_185 = arith.mulf %scan3A_153#3, %mul3A_184 : vector<16xf32>
      %swap3A_186 = arith.index_cast %add3A_158 : i32 to index
      %swap3A_187 = arith.constant 48 : index
      %swap3A_188 = tpu.vector_load %arg8[%swap3A_186, %swap3A_187] {strides = array<i32>} : memref<512x64xf32, #tpu.memory_space<vmem>>, vector<1x16xf32>,
      %swap3A_189 = vector.shape_cast %swap3A_188 : vector<1x16xf32> to vector<16xf32>
      %swap3A_190 = vector.shape_cast %mul3A_185 : vector<16xf32> to vector<1x16xf32>
      tpu.vector_store %arg8[%swap3A_186, %swap3A_187], %swap3A_190 {strides = array<i32>} : memref<512x64xf32, #tpu.memory_space<vmem>>, vector<1x16xf32>,
      %broadcast_in_dim3A_191 = arith.constant 0.000000e+00 : f32
      %broadcast_in_dim3A_192 = vector.broadcast %broadcast_in_dim3A_191 : f32 to vector<16xf32>
      %broadcast_in_dim3A_193 = arith.constant 0.000000e+00 : f32
      %broadcast_in_dim3A_194 = vector.broadcast %broadcast_in_dim3A_193 : f32 to vector<16xf32>
      %broadcast_in_dim3A_195 = arith.constant 0.000000e+00 : f32
      %broadcast_in_dim3A_196 = vector.broadcast %broadcast_in_dim3A_195 : f32 to vector<16xf32>
      %broadcast_in_dim3A_197 = arith.constant 0.000000e+00 : f32
      %broadcast_in_dim3A_198 = vector.broadcast %broadcast_in_dim3A_197 : f32 to vector<16xf32>
      %scan3A_199 = arith.constant 0 : i32
      %scan3A_200 = arith.constant 50 : i32
      %scan3A_201 = arith.addi %scan3A_199, %scan3A_200 : i32
      %scan3A_202 = arith.constant 5 : i32
      %scan3A_203:4 = scf.for %scan3A_248 = %scan3A_199 to %scan3A_201 step %scan3A_202 iter_args(%scan3A_249 = %broadcast_in_dim3A_192, %scan3A_250 = %broadcast_in_dim3A_194, %scan3A_251 = %broadcast_in_dim3A_196, %scan3A_252 = %broadcast_in_dim3A_198) -> (vector<16xf32>, vector<16xf32>, vector<16xf32>, vector<16xf32>)  : i32 {
        %add3A_253 = arith.constant 50 : i32
        %add3A_254 = arith.addi %add3A_253, %scan3A_248 : i32
        %get3A = arith.index_cast %add3A_254 : i32 to index
        %get3A_255 = arith.constant 0 : index
        %get3A_256 = tpu.vector_load %arg7[%get3A, %get3A_255] {strides = array<i32>} : memref<100x64xf32, #tpu.memory_space<vmem>>, vector<1x16xf32>,
        %get3A_257 = vector.shape_cast %get3A_256 : vector<1x16xf32> to vector<16xf32>
        %add3A_258 = arith.addf %scan3A_249, %get3A_257 : vector<16xf32>
        %add3A_259 = arith.constant 50 : i32
        %add3A_260 = arith.addi %add3A_259, %scan3A_248 : i32
        %get3A_261 = arith.index_cast %add3A_260 : i32 to index
        %get3A_262 = arith.constant 16 : index
        %get3A_263 = tpu.vector_load %arg7[%get3A_261, %get3A_262] {strides = array<i32>} : memref<100x64xf32, #tpu.memory_space<vmem>>, vector<1x16xf32>,
        %get3A_264 = vector.shape_cast %get3A_263 : vector<1x16xf32> to vector<16xf32>
        %add3A_265 = arith.addf %scan3A_250, %get3A_264 : vector<16xf32>
        %add3A_266 = arith.constant 50 : i32
        %add3A_267 = arith.addi %add3A_266, %scan3A_248 : i32
        %get3A_268 = arith.index_cast %add3A_267 : i32 to index
        %get3A_269 = arith.constant 32 : index
        %get3A_270 = tpu.vector_load %arg7[%get3A_268, %get3A_269] {strides = array<i32>} : memref<100x64xf32, #tpu.memory_space<vmem>>, vector<1x16xf32>,
        %get3A_271 = vector.shape_cast %get3A_270 : vector<1x16xf32> to vector<16xf32>
        %add3A_272 = arith.addf %scan3A_251, %get3A_271 : vector<16xf32>
        %add3A_273 = arith.constant 50 : i32
        %add3A_274 = arith.addi %add3A_273, %scan3A_248 : i32
        %get3A_275 = arith.index_cast %add3A_274 : i32 to index
        %get3A_276 = arith.constant 48 : index
        %get3A_277 = tpu.vector_load %arg7[%get3A_275, %get3A_276] {strides = array<i32>} : memref<100x64xf32, #tpu.memory_space<vmem>>, vector<1x16xf32>,
        %get3A_278 = vector.shape_cast %get3A_277 : vector<1x16xf32> to vector<16xf32>
        %add3A_279 = arith.addf %scan3A_252, %get3A_278 : vector<16xf32>
        %scan3A_280 = arith.constant 1 : i32
        %scan3A_281 = arith.addi %scan3A_248, %scan3A_280 : i32
        %add3A_282 = arith.constant 50 : i32
        %add3A_283 = arith.addi %add3A_282, %scan3A_281 : i32
        %get3A_284 = arith.index_cast %add3A_283 : i32 to index
        %get3A_285 = arith.constant 0 : index
        %get3A_286 = tpu.vector_load %arg7[%get3A_284, %get3A_285] {strides = array<i32>} : memref<100x64xf32, #tpu.memory_space<vmem>>, vector<1x16xf32>,
        %get3A_287 = vector.shape_cast %get3A_286 : vector<1x16xf32> to vector<16xf32>
        %add3A_288 = arith.addf %add3A_258, %get3A_287 : vector<16xf32>
        %add3A_289 = arith.constant 50 : i32
        %add3A_290 = arith.addi %add3A_289, %scan3A_281 : i32
        %get3A_291 = arith.index_cast %add3A_290 : i32 to index
        %get3A_292 = arith.constant 16 : index
        %get3A_293 = tpu.vector_load %arg7[%get3A_291, %get3A_292] {strides = array<i32>} : memref<100x64xf32, #tpu.memory_space<vmem>>, vector<1x16xf32>,
        %get3A_294 = vector.shape_cast %get3A_293 : vector<1x16xf32> to vector<16xf32>
        %add3A_295 = arith.addf %add3A_265, %get3A_294 : vector<16xf32>
        %add3A_296 = arith.constant 50 : i32
        %add3A_297 = arith.addi %add3A_296, %scan3A_281 : i32
        %get3A_298 = arith.index_cast %add3A_297 : i32 to index
        %get3A_299 = arith.constant 32 : index
        %get3A_300 = tpu.vector_load %arg7[%get3A_298, %get3A_299] {strides = array<i32>} : memref<100x64xf32, #tpu.memory_space<vmem>>, vector<1x16xf32>,
        %get3A_301 = vector.shape_cast %get3A_300 : vector<1x16xf32> to vector<16xf32>
        %add3A_302 = arith.addf %add3A_272, %get3A_301 : vector<16xf32>
        %add3A_303 = arith.constant 50 : i32
        %add3A_304 = arith.addi %add3A_303, %scan3A_281 : i32
        %get3A_305 = arith.index_cast %add3A_304 : i32 to index
        %get3A_306 = arith.constant 48 : index
        %get3A_307 = tpu.vector_load %arg7[%get3A_305, %get3A_306] {strides = array<i32>} : memref<100x64xf32, #tpu.memory_space<vmem>>, vector<1x16xf32>,
        %get3A_308 = vector.shape_cast %get3A_307 : vector<1x16xf32> to vector<16xf32>
        %add3A_309 = arith.addf %add3A_279, %get3A_308 : vector<16xf32>
        %scan3A_310 = arith.constant 2 : i32
        %scan3A_311 = arith.addi %scan3A_248, %scan3A_310 : i32
        %add3A_312 = arith.constant 50 : i32
        %add3A_313 = arith.addi %add3A_312, %scan3A_311 : i32
        %get3A_314 = arith.index_cast %add3A_313 : i32 to index
        %get3A_315 = arith.constant 0 : index
        %get3A_316 = tpu.vector_load %arg7[%get3A_314, %get3A_315] {strides = array<i32>} : memref<100x64xf32, #tpu.memory_space<vmem>>, vector<1x16xf32>,
        %get3A_317 = vector.shape_cast %get3A_316 : vector<1x16xf32> to vector<16xf32>
        %add3A_318 = arith.addf %add3A_288, %get3A_317 : vector<16xf32>
        %add3A_319 = arith.constant 50 : i32
        %add3A_320 = arith.addi %add3A_319, %scan3A_311 : i32
        %get3A_321 = arith.index_cast %add3A_320 : i32 to index
        %get3A_322 = arith.constant 16 : index
        %get3A_323 = tpu.vector_load %arg7[%get3A_321, %get3A_322] {strides = array<i32>} : memref<100x64xf32, #tpu.memory_space<vmem>>, vector<1x16xf32>,
        %get3A_324 = vector.shape_cast %get3A_323 : vector<1x16xf32> to vector<16xf32>
        %add3A_325 = arith.addf %add3A_295, %get3A_324 : vector<16xf32>
        %add3A_326 = arith.constant 50 : i32
        %add3A_327 = arith.addi %add3A_326, %scan3A_311 : i32
        %get3A_328 = arith.index_cast %add3A_327 : i32 to index
        %get3A_329 = arith.constant 32 : index
        %get3A_330 = tpu.vector_load %arg7[%get3A_328, %get3A_329] {strides = array<i32>} : memref<100x64xf32, #tpu.memory_space<vmem>>, vector<1x16xf32>,
        %get3A_331 = vector.shape_cast %get3A_330 : vector<1x16xf32> to vector<16xf32>
        %add3A_332 = arith.addf %add3A_302, %get3A_331 : vector<16xf32>
        %add3A_333 = arith.constant 50 : i32
        %add3A_334 = arith.addi %add3A_333, %scan3A_311 : i32
        %get3A_335 = arith.index_cast %add3A_334 : i32 to index
        %get3A_336 = arith.constant 48 : index
        %get3A_337 = tpu.vector_load %arg7[%get3A_335, %get3A_336] {strides = array<i32>} : memref<100x64xf32, #tpu.memory_space<vmem>>, vector<1x16xf32>,
        %get3A_338 = vector.shape_cast %get3A_337 : vector<1x16xf32> to vector<16xf32>
        %add3A_339 = arith.addf %add3A_309, %get3A_338 : vector<16xf32>
        %scan3A_340 = arith.constant 3 : i32
        %scan3A_341 = arith.addi %scan3A_248, %scan3A_340 : i32
        %add3A_342 = arith.constant 50 : i32
        %add3A_343 = arith.addi %add3A_342, %scan3A_341 : i32
        %get3A_344 = arith.index_cast %add3A_343 : i32 to index
        %get3A_345 = arith.constant 0 : index
        %get3A_346 = tpu.vector_load %arg7[%get3A_344, %get3A_345] {strides = array<i32>} : memref<100x64xf32, #tpu.memory_space<vmem>>, vector<1x16xf32>,
        %get3A_347 = vector.shape_cast %get3A_346 : vector<1x16xf32> to vector<16xf32>
        %add3A_348 = arith.addf %add3A_318, %get3A_347 : vector<16xf32>
        %add3A_349 = arith.constant 50 : i32
        %add3A_350 = arith.addi %add3A_349, %scan3A_341 : i32
        %get3A_351 = arith.index_cast %add3A_350 : i32 to index
        %get3A_352 = arith.constant 16 : index
        %get3A_353 = tpu.vector_load %arg7[%get3A_351, %get3A_352] {strides = array<i32>} : memref<100x64xf32, #tpu.memory_space<vmem>>, vector<1x16xf32>,
        %get3A_354 = vector.shape_cast %get3A_353 : vector<1x16xf32> to vector<16xf32>
        %add3A_355 = arith.addf %add3A_325, %get3A_354 : vector<16xf32>
        %add3A_356 = arith.constant 50 : i32
        %add3A_357 = arith.addi %add3A_356, %scan3A_341 : i32
        %get3A_358 = arith.index_cast %add3A_357 : i32 to index
        %get3A_359 = arith.constant 32 : index
        %get3A_360 = tpu.vector_load %arg7[%get3A_358, %get3A_359] {strides = array<i32>} : memref<100x64xf32, #tpu.memory_space<vmem>>, vector<1x16xf32>,
        %get3A_361 = vector.shape_cast %get3A_360 : vector<1x16xf32> to vector<16xf32>
        %add3A_362 = arith.addf %add3A_332, %get3A_361 : vector<16xf32>
        %add3A_363 = arith.constant 50 : i32
        %add3A_364 = arith.addi %add3A_363, %scan3A_341 : i32
        %get3A_365 = arith.index_cast %add3A_364 : i32 to index
        %get3A_366 = arith.constant 48 : index
        %get3A_367 = tpu.vector_load %arg7[%get3A_365, %get3A_366] {strides = array<i32>} : memref<100x64xf32, #tpu.memory_space<vmem>>, vector<1x16xf32>,
        %get3A_368 = vector.shape_cast %get3A_367 : vector<1x16xf32> to vector<16xf32>
        %add3A_369 = arith.addf %add3A_339, %get3A_368 : vector<16xf32>
        %scan3A_370 = arith.constant 4 : i32
        %scan3A_371 = arith.addi %scan3A_248, %scan3A_370 : i32
        %add3A_372 = arith.constant 50 : i32
        %add3A_373 = arith.addi %add3A_372, %scan3A_371 : i32
        %get3A_374 = arith.index_cast %add3A_373 : i32 to index
        %get3A_375 = arith.constant 0 : index
        %get3A_376 = tpu.vector_load %arg7[%get3A_374, %get3A_375] {strides = array<i32>} : memref<100x64xf32, #tpu.memory_space<vmem>>, vector<1x16xf32>,
        %get3A_377 = vector.shape_cast %get3A_376 : vector<1x16xf32> to vector<16xf32>
        %add3A_378 = arith.addf %add3A_348, %get3A_377 : vector<16xf32>
        %add3A_379 = arith.constant 50 : i32
        %add3A_380 = arith.addi %add3A_379, %scan3A_371 : i32
        %get3A_381 = arith.index_cast %add3A_380 : i32 to index
        %get3A_382 = arith.constant 16 : index
        %get3A_383 = tpu.vector_load %arg7[%get3A_381, %get3A_382] {strides = array<i32>} : memref<100x64xf32, #tpu.memory_space<vmem>>, vector<1x16xf32>,
        %get3A_384 = vector.shape_cast %get3A_383 : vector<1x16xf32> to vector<16xf32>
        %add3A_385 = arith.addf %add3A_355, %get3A_384 : vector<16xf32>
        %add3A_386 = arith.constant 50 : i32
        %add3A_387 = arith.addi %add3A_386, %scan3A_371 : i32
        %get3A_388 = arith.index_cast %add3A_387 : i32 to index
        %get3A_389 = arith.constant 32 : index
        %get3A_390 = tpu.vector_load %arg7[%get3A_388, %get3A_389] {strides = array<i32>} : memref<100x64xf32, #tpu.memory_space<vmem>>, vector<1x16xf32>,
        %get3A_391 = vector.shape_cast %get3A_390 : vector<1x16xf32> to vector<16xf32>
        %add3A_392 = arith.addf %add3A_362, %get3A_391 : vector<16xf32>
        %add3A_393 = arith.constant 50 : i32
        %add3A_394 = arith.addi %add3A_393, %scan3A_371 : i32
        %get3A_395 = arith.index_cast %add3A_394 : i32 to index
        %get3A_396 = arith.constant 48 : index
        %get3A_397 = tpu.vector_load %arg7[%get3A_395, %get3A_396] {strides = array<i32>} : memref<100x64xf32, #tpu.memory_space<vmem>>, vector<1x16xf32>,
        %get3A_398 = vector.shape_cast %get3A_397 : vector<1x16xf32> to vector<16xf32>
        %add3A_399 = arith.addf %add3A_369, %get3A_398 : vector<16xf32>
        scf.yield %add3A_378, %add3A_385, %add3A_392, %add3A_399 : vector<16xf32>, vector<16xf32>, vector<16xf32>, vector<16xf32>
      }
      %scan3A_204 = arith.constant 50 : i32
      %mul3A_205 = arith.constant 2 : i32
      %mul3A_206 = arith.muli %add3A_140, %mul3A_205 : i32
      %add3A_207 = arith.constant 1 : i32
      %add3A_208 = arith.addi %mul3A_206, %add3A_207 : i32
      %mul3A_209 = arith.constant 2.000000e-02 : f32
      %mul3A_210 = vector.broadcast %mul3A_209 : f32 to vector<16xf32>
      %mul3A_211 = arith.mulf %scan3A_203#0, %mul3A_210 : vector<16xf32>
      %swap3A_212 = arith.index_cast %add3A_208 : i32 to index
      %swap3A_213 = arith.constant 0 : index
      %swap3A_214 = tpu.vector_load %arg8[%swap3A_212, %swap3A_213] {strides = array<i32>} : memref<512x64xf32, #tpu.memory_space<vmem>>, vector<1x16xf32>,
      %swap3A_215 = vector.shape_cast %swap3A_214 : vector<1x16xf32> to vector<16xf32>
      %swap3A_216 = vector.shape_cast %mul3A_211 : vector<16xf32> to vector<1x16xf32>
      tpu.vector_store %arg8[%swap3A_212, %swap3A_213], %swap3A_216 {strides = array<i32>} : memref<512x64xf32, #tpu.memory_space<vmem>>, vector<1x16xf32>,
      %mul3A_217 = arith.constant 2.000000e-02 : f32
      %mul3A_218 = vector.broadcast %mul3A_217 : f32 to vector<16xf32>
      %mul3A_219 = arith.mulf %scan3A_203#1, %mul3A_218 : vector<16xf32>
      %swap3A_220 = arith.index_cast %add3A_208 : i32 to index
      %swap3A_221 = arith.constant 16 : index
      %swap3A_222 = tpu.vector_load %arg8[%swap3A_220, %swap3A_221] {strides = array<i32>} : memref<512x64xf32, #tpu.memory_space<vmem>>, vector<1x16xf32>,
      %swap3A_223 = vector.shape_cast %swap3A_222 : vector<1x16xf32> to vector<16xf32>
      %swap3A_224 = vector.shape_cast %mul3A_219 : vector<16xf32> to vector<1x16xf32>
      tpu.vector_store %arg8[%swap3A_220, %swap3A_221], %swap3A_224 {strides = array<i32>} : memref<512x64xf32, #tpu.memory_space<vmem>>, vector<1x16xf32>,
      %mul3A_225 = arith.constant 2.000000e-02 : f32
      %mul3A_226 = vector.broadcast %mul3A_225 : f32 to vector<16xf32>
      %mul3A_227 = arith.mulf %scan3A_203#2, %mul3A_226 : vector<16xf32>
      %swap3A_228 = arith.index_cast %add3A_208 : i32 to index
      %swap3A_229 = arith.constant 32 : index
      %swap3A_230 = tpu.vector_load %arg8[%swap3A_228, %swap3A_229] {strides = array<i32>} : memref<512x64xf32, #tpu.memory_space<vmem>>, vector<1x16xf32>,
      %swap3A_231 = vector.shape_cast %swap3A_230 : vector<1x16xf32> to vector<16xf32>
      %swap3A_232 = vector.shape_cast %mul3A_227 : vector<16xf32> to vector<1x16xf32>
      tpu.vector_store %arg8[%swap3A_228, %swap3A_229], %swap3A_232 {strides = array<i32>} : memref<512x64xf32, #tpu.memory_space<vmem>>, vector<1x16xf32>,
      %mul3A_233 = arith.constant 2.000000e-02 : f32
      %mul3A_234 = vector.broadcast %mul3A_233 : f32 to vector<16xf32>
      %mul3A_235 = arith.mulf %scan3A_203#3, %mul3A_234 : vector<16xf32>
      %swap3A_236 = arith.index_cast %add3A_208 : i32 to index
      %swap3A_237 = arith.constant 48 : index
      %swap3A_238 = tpu.vector_load %arg8[%swap3A_236, %swap3A_237] {strides = array<i32>} : memref<512x64xf32, #tpu.memory_space<vmem>>, vector<1x16xf32>,
      %swap3A_239 = vector.shape_cast %swap3A_238 : vector<1x16xf32> to vector<16xf32>
      %swap3A_240 = vector.shape_cast %mul3A_235 : vector<16xf32> to vector<1x16xf32>
      tpu.vector_store %arg8[%swap3A_236, %swap3A_237], %swap3A_240 {strides = array<i32>} : memref<512x64xf32, #tpu.memory_space<vmem>>, vector<1x16xf32>,
      %add3A_241 = arith.constant 3 : i32
      %add3A_242 = arith.addi %mul3A_23, %add3A_241 : i32
      %lt3A_243 = arith.constant 256 : i32
      %lt3A_244 = arith.cmpi slt, %add3A_242, %lt3A_243 : i32
      %convert_element_type3A_245 = arith.extui %lt3A_244 : i1 to i32
      %cond3A_246 = arith.constant 0 : i32
      %cond3A_247 = arith.cmpi ne, %convert_element_type3A_245, %cond3A_246 : i32
      scf.if %cond3A_247 {
        %add3A_248 = arith.constant 3 : i32
        %add3A_249 = arith.addi %mul3A_23, %add3A_248 : i32
        %dma_start3A_250 = arith.constant 0 : i32
        %dma_start3A_251 = tpu.memref_slice %arg5[%add3A_249, %dma_start3A_250] : memref<256x100xi32, #tpu.memory_space<vmem>> -> memref<1x100xi32, #tpu.memory_space<vmem>>
        %dma_start3A_252 = tpu.memref_squeeze %dma_start3A_251 : memref<1x100xi32, #tpu.memory_space<vmem>> -> memref<100xi32, #tpu.memory_space<vmem>>
        %dma_start3A_253 = arith.constant 0 : i32
        %dma_start3A_254 = arith.constant 0 : i32
        %dma_start3A_255 = tpu.memref_slice %arg3[%dma_start3A_253, %dma_start3A_254] : memref<1003520x64xf32, #tpu.memory_space<hbm>> -> memref<1003520x64xf32, #tpu.memory_space<hbm>>
        tpu.enqueue_indirect_dma source(%dma_start3A_255 : memref<1003520x64xf32, #tpu.memory_space<hbm>>) target(%arg7 : memref<100x64xf32, #tpu.memory_space<vmem>>) offsets(%dma_start3A_252 : memref<100xi32, #tpu.memory_space<vmem>>) semaphore(%arg10 : memref<!tpu.dma_semaphore, #tpu.memory_space<semaphore_mem>>)
      } else {
      }
    }
    %scan3A_20 = arith.constant 128 : i32
    "tpu.region"() ({
      %run_scoped3A = tpu.sem_alloc : memref<!tpu.dma_semaphore, #tpu.memory_space<semaphore_mem>>
      %dma_start3A_21 = arith.constant 0 : i32
      %dma_start3A_22 = tpu.memref_slice %arg4[%mul3A_2, %dma_start3A_21] : memref<16384x64xf32, #tpu.memory_space<hbm>> -> memref<512x64xf32, #tpu.memory_space<hbm>>
      %dma_start3A_23 = arith.constant 0 : i32
      %dma_start3A_24 = tpu.memref_slice %arg4[%mul3A_2, %dma_start3A_23] : memref<16384x64xf32, #tpu.memory_space<hbm>> -> memref<512x64xf32, #tpu.memory_space<hbm>>
      tpu.enqueue_dma source(%arg8 : memref<512x64xf32, #tpu.memory_space<vmem>>) target(%dma_start3A_24 : memref<512x64xf32, #tpu.memory_space<hbm>>) target_semaphore(%run_scoped3A : memref<!tpu.dma_semaphore, #tpu.memory_space<semaphore_mem>>)
      %dma_wait3A = arith.constant 0 : i32
      %dma_wait3A_25 = tpu.memref_slice %arg4[%mul3A_2, %dma_wait3A] : memref<16384x64xf32, #tpu.memory_space<hbm>> -> memref<512x64xf32, #tpu.memory_space<hbm>>
      %dma_wait3A_26 = arith.constant 0 : i32
      %dma_wait3A_27 = tpu.memref_slice %arg4[%mul3A_2, %dma_wait3A_26] : memref<16384x64xf32, #tpu.memory_space<hbm>> -> memref<512x64xf32, #tpu.memory_space<hbm>>
      tpu.wait_dma2 semaphore(%run_scoped3A : memref<!tpu.dma_semaphore, #tpu.memory_space<semaphore_mem>>) src(%arg8 : memref<512x64xf32, #tpu.memory_space<vmem>>) dst(%dma_wait3A_27 : memref<512x64xf32, #tpu.memory_space<hbm>>)
      tpu.yield
    }) : () -> ()
    return
  }
}

module attributes {stable_mosaic.version = 14 : i64} {
  func.func @_interleave_body(%arg0: i32, %arg1: memref<64x2048xf32, #tpu.memory_space<vmem>>, %arg2: memref<64x2048xf32, #tpu.memory_space<vmem>>, %arg3: memref<2048x128xf32, #tpu.memory_space<vmem>>) attributes {dimension_semantics = [#tpu.dimension_semantics<arbitrary>], iteration_bounds = array<i64: 245>, scalar_prefetch = 0 : i64, scratch_operands = 0 : i64, tpu.core_type = #tpu.core_type<tc>, window_params = [{transform_indices = @transform_0, window_bounds = array<i64: 64, 2048>}, {transform_indices = @transform_1, window_bounds = array<i64: 64, 2048>}, {transform_indices = @transform_2, window_bounds = array<i64: 2048, 128>}]} {
    %iota3A = tpu.iota {dimensions = array<i32: 0>} : vector<64x64xi32>
    %iota3A_0 = tpu.iota {dimensions = array<i32: 1>} : vector<64x64xi32>
    %eq3A = arith.cmpi eq, %iota3A, %iota3A_0 : vector<64x64xi32>
    %convert_element_type3A = arith.extui %eq3A : vector<64x64xi1> to vector<64x64xi32>
    %convert_element_type3A_1 = arith.sitofp %convert_element_type3A : vector<64x64xi32> to vector<64x64xf32>
    %get3A = arith.constant 0 : index
    %get3A_2 = arith.constant 0 : index
    %get3A_3 = vector.load %arg1[%get3A, %get3A_2] : memref<64x2048xf32, #tpu.memory_space<vmem>>, vector<64x2048xf32>
    "tpu.trace_start"() <{level = 10 : i32, message = "km,kn->mn"}> : () -> ()
    %dot_general3A = arith.constant dense<0.000000e+00> : vector<2048x64xf32>
    %dot_general3A_4 = tpu.matmul %get3A_3, %convert_element_type3A_1, %dot_general3A {dimension_numbers = #tpu.dot_dimension_numbers<[0], [0], [1], [1], [0, 1, 1, 1], [], []>, transpose_lhs_hint = true} : vector<64x2048xf32>, vector<64x64xf32>, vector<2048x64xf32> -> vector<2048x64xf32>
    "tpu.trace_stop"() : () -> ()
    %swap3A = arith.constant 0 : index
    %swap3A_5 = arith.constant 0 : index
    %swap3A_6 = vector.load %arg3[%swap3A, %swap3A_5] : memref<2048x128xf32, #tpu.memory_space<vmem>>, vector<2048x64xf32>
    tpu.vector_store %arg3[%swap3A, %swap3A_5], %dot_general3A_4 {strides = array<i32>} : memref<2048x128xf32, #tpu.memory_space<vmem>>, vector<2048x64xf32>,
    %get3A_7 = arith.constant 0 : index
    %get3A_8 = arith.constant 0 : index
    %get3A_9 = vector.load %arg2[%get3A_7, %get3A_8] : memref<64x2048xf32, #tpu.memory_space<vmem>>, vector<64x2048xf32>
    "tpu.trace_start"() <{level = 10 : i32, message = "km,kn->mn"}> : () -> ()
    %dot_general3A_10 = arith.constant dense<0.000000e+00> : vector<2048x64xf32>
    %dot_general3A_11 = tpu.matmul %get3A_9, %convert_element_type3A_1, %dot_general3A_10 {dimension_numbers = #tpu.dot_dimension_numbers<[0], [0], [1], [1], [0, 1, 1, 1], [], []>, transpose_lhs_hint = true} : vector<64x2048xf32>, vector<64x64xf32>, vector<2048x64xf32> -> vector<2048x64xf32>
    "tpu.trace_stop"() : () -> ()
    %swap3A_12 = arith.constant 0 : index
    %swap3A_13 = arith.constant 64 : index
    %swap3A_14 = vector.load %arg3[%swap3A_12, %swap3A_13] : memref<2048x128xf32, #tpu.memory_space<vmem>>, vector<2048x64xf32>
    tpu.vector_store %arg3[%swap3A_12, %swap3A_13], %dot_general3A_11 {strides = array<i32>} : memref<2048x128xf32, #tpu.memory_space<vmem>>, vector<2048x64xf32>,
    return
  }
  func.func @transform_0(%arg0: i32) -> (i32, i32) {
    %mul3A = arith.constant 2 : i32
    %mul3A_0 = arith.muli %mul3A, %arg0 : i32
    %c0_i32 = arith.constant 0 : i32
    %c0_i32_1 = arith.constant 0 : i32
    return %c0_i32, %mul3A_0 : i32, i32
  }
  func.func @transform_1(%arg0: i32) -> (i32, i32) {
    %mul3A = arith.constant 2 : i32
    %mul3A_0 = arith.muli %mul3A, %arg0 : i32
    %add3A = arith.constant 1 : i32
    %add3A_1 = arith.addi %mul3A_0, %add3A : i32
    %min3A = arith.constant 487 : i32
    %min3A_2 = arith.minsi %add3A_1, %min3A : i32
    %c0_i32 = arith.constant 0 : i32
    %c0_i32_3 = arith.constant 0 : i32
    return %c0_i32, %min3A_2 : i32, i32
  }
  func.func @transform_2(%arg0: i32) -> (i32, i32) {
    %c0_i32 = arith.constant 0 : i32
    %c0_i32_0 = arith.constant 0 : i32
    return %arg0, %c0_i32 : i32, i32
  }
}

module attributes {stable_mosaic.version = 14 : i64} {
  func.func @_mlp_body(%arg0: i32, %arg1: memref<2048x64xf32, #tpu.memory_space<vmem>>, %arg2: memref<64x64xf32, #tpu.memory_space<vmem>>, %arg3: memref<1x64xf32, #tpu.memory_space<vmem>>, %arg4: memref<64x10xf32, #tpu.memory_space<vmem>>, %arg5: memref<1x10xf32, #tpu.memory_space<vmem>>, %arg6: memref<2048x10xf32, #tpu.memory_space<vmem>>) attributes {dimension_semantics = [#tpu.dimension_semantics<arbitrary>], iteration_bounds = array<i64: 8>, scalar_prefetch = 0 : i64, scratch_operands = 0 : i64, tpu.core_type = #tpu.core_type<tc>, window_params = [{transform_indices = @transform_0, window_bounds = array<i64: 2048, 64>}, {pipeline_mode = #tpu.pipeline_mode<synchronous>, transform_indices = @transform_1, window_bounds = array<i64: 64, 64>}, {pipeline_mode = #tpu.pipeline_mode<synchronous>, transform_indices = @transform_2, window_bounds = array<i64: 1, 64>}, {pipeline_mode = #tpu.pipeline_mode<synchronous>, transform_indices = @transform_3, window_bounds = array<i64: 64, 10>}, {pipeline_mode = #tpu.pipeline_mode<synchronous>, transform_indices = @transform_4, window_bounds = array<i64: 1, 10>}, {transform_indices = @transform_5, window_bounds = array<i64: 2048, 10>}]} {
    %get3A = arith.constant 0 : index
    %get3A_0 = arith.constant 0 : index
    %get3A_1 = vector.load %arg1[%get3A, %get3A_0] : memref<2048x64xf32, #tpu.memory_space<vmem>>, vector<2048x64xf32>
    %get3A_2 = arith.constant 0 : index
    %get3A_3 = arith.constant 0 : index
    %get3A_4 = vector.load %arg2[%get3A_2, %get3A_3] : memref<64x64xf32, #tpu.memory_space<vmem>>, vector<64x64xf32>
    %dot_general3A = arith.constant dense<0.000000e+00> : vector<2048x64xf32>
    %dot_general3A_5 = tpu.matmul %get3A_1, %get3A_4, %dot_general3A {dimension_numbers = #tpu.dot_dimension_numbers<[1], [0], [0], [1], [0, 0, 1, 1], [], []>, transpose_lhs_hint = false} : vector<2048x64xf32>, vector<64x64xf32>, vector<2048x64xf32> -> vector<2048x64xf32>
    %get3A_6 = arith.constant 0 : index
    %get3A_7 = arith.constant 0 : index
    %get3A_8 = vector.load %arg3[%get3A_6, %get3A_7] : memref<1x64xf32, #tpu.memory_space<vmem>>, vector<1x64xf32>
    %add3A = vector.broadcast %get3A_8 : vector<1x64xf32> to vector<2048x64xf32>
    %add3A_9 = arith.addf %dot_general3A_5, %add3A : vector<2048x64xf32>
    %max3A = arith.constant 0.000000e+00 : f32
    %max3A_10 = vector.broadcast %max3A : f32 to vector<2048x64xf32>
    %max3A_11 = arith.maximumf %add3A_9, %max3A_10 : vector<2048x64xf32>
    %get3A_12 = arith.constant 0 : index
    %get3A_13 = arith.constant 0 : index
    %get3A_14 = vector.load %arg4[%get3A_12, %get3A_13] : memref<64x10xf32, #tpu.memory_space<vmem>>, vector<64x10xf32>
    %dot_general3A_15 = arith.constant dense<0.000000e+00> : vector<2048x10xf32>
    %dot_general3A_16 = tpu.matmul %max3A_11, %get3A_14, %dot_general3A_15 {dimension_numbers = #tpu.dot_dimension_numbers<[1], [0], [0], [1], [0, 0, 1, 1], [], []>, transpose_lhs_hint = false} : vector<2048x64xf32>, vector<64x10xf32>, vector<2048x10xf32> -> vector<2048x10xf32>
    %get3A_17 = arith.constant 0 : index
    %get3A_18 = arith.constant 0 : index
    %get3A_19 = vector.load %arg5[%get3A_17, %get3A_18] : memref<1x10xf32, #tpu.memory_space<vmem>>, vector<1x10xf32>
    %add3A_20 = vector.broadcast %get3A_19 : vector<1x10xf32> to vector<2048x10xf32>
    %add3A_21 = arith.addf %dot_general3A_16, %add3A_20 : vector<2048x10xf32>
    %swap3A = arith.constant 0 : index
    %swap3A_22 = arith.constant 0 : index
    %swap3A_23 = vector.load %arg6[%swap3A, %swap3A_22] : memref<2048x10xf32, #tpu.memory_space<vmem>>, vector<2048x10xf32>
    tpu.vector_store %arg6[%swap3A, %swap3A_22], %add3A_21 {strides = array<i32>} : memref<2048x10xf32, #tpu.memory_space<vmem>>, vector<2048x10xf32>,
    return
  }
  func.func @transform_0(%arg0: i32) -> (i32, i32) {
    %c0_i32 = arith.constant 0 : i32
    %c0_i32_0 = arith.constant 0 : i32
    return %arg0, %c0_i32 : i32, i32
  }
  func.func @transform_1(%arg0: i32) -> (i32, i32) {
    %c0_i32 = arith.constant 0 : i32
    %c0_i32_0 = arith.constant 0 : i32
    %c0_i32_1 = arith.constant 0 : i32
    return %c0_i32, %c0_i32_0 : i32, i32
  }
  func.func @transform_2(%arg0: i32) -> (i32, i32) {
    %c0_i32 = arith.constant 0 : i32
    %c0_i32_0 = arith.constant 0 : i32
    %c0_i32_1 = arith.constant 0 : i32
    return %c0_i32, %c0_i32_0 : i32, i32
  }
  func.func @transform_3(%arg0: i32) -> (i32, i32) {
    %c0_i32 = arith.constant 0 : i32
    %c0_i32_0 = arith.constant 0 : i32
    %c0_i32_1 = arith.constant 0 : i32
    return %c0_i32, %c0_i32_0 : i32, i32
  }
  func.func @transform_4(%arg0: i32) -> (i32, i32) {
    %c0_i32 = arith.constant 0 : i32
    %c0_i32_0 = arith.constant 0 : i32
    %c0_i32_1 = arith.constant 0 : i32
    return %c0_i32, %c0_i32_0 : i32, i32
  }
  func.func @transform_5(%arg0: i32) -> (i32, i32) {
    %c0_i32 = arith.constant 0 : i32
    %c0_i32_0 = arith.constant 0 : i32
    return %arg0, %c0_i32 : i32, i32
  }
}

</mosaic_0001>

<sc_bundles>
// kernel: _run.5.cloned.1.call-start
scs
__scs_entry_jumppad:
0x0: {  	(pc) =	sbr.rel $0x88, $3  }
0x1: {  	(tag) =	ssettag $0x0;
	lr =	simm.s32 $0x1  }
0x2: {  	[smem:$0x3F9B] =	sst lr;
	_ =	strace $0xD0000000  }
0x3: {  	_ = 	snop  }
0x4: {  	_ = 	snop  }
0x5: {  	_ = 	snop  }
0x6: {  	_ = 	snop  }
0x7: {  	_ = 	snop  }
__scs_overlays_trampoline_lowered:
0x8: {  	[smem:$0x3FAA] =	sst s0  }
0x9: {  	[smem:$0x3FAB] =	sst s1  }
0xa: {  	[smem:$0x3FAC] =	sst s2  }
0xb: {  	[smem:$0x3FAD] =	sst s3  }
0xc: {  	[smem:$0x3FAE] =	sst s4  }
0xd: {  	[smem:$0x3FAF] =	sst s5  }
0xe: {  	[smem:$0x3FB0] =	sst s6  }
0xf: {  	[smem:$0x3FB1] =	sst s7  }
0x10: {  	[smem:$0x3FB2] =	sst s8  }
0x11: {  	[smem:$0x3FB3] =	sst s9;
	s0 =	simm.s32 @!p0 $0x0  }
0x12: {  	s1 =	sld [smem:$0x3F99];
	s0 =	simm.s32 @p0 $0x1  }
0x13: {  	[smem:$0x3FB4] =	sst s0;
	s0 =	simm.s32 @!p1 $0x0  }
0x14: {  	s2 =	sld [smem:$0x3F98];
	s0 =	simm.s32 @p1 $0x1  }
0x15: {  	[smem:$0x3FB5] =	sst s0;
	s0 =	simm.s32 @!p2 $0x0  }
0x16: {  	s3 =	sld [smem:$0x3FDB];
	s0 =	simm.s32 @p2 $0x1  }
0x17: {  	s4 =	simm.s32 $0x1BF5;
	[smem:$0x3FB7] =	sst s0  }
0x18: {  	s0 =	sld [smem:$0x3F9A];
	_ =	swait.ge [sflag:s4], $0x0  }
0x19: {  	s7 =	sld [smem:$0x3F9B]  }
0x1a: {  	s8 =	sadd.s32 $0xFFFFE003, lr  }
0x1b: {  	s9 =	sadd.s32 $0xFFFFFEF7, lr;
	s5 =	simm.s32 $0xFFFFFFFF;
	p2 =	slt.u32 s8, $0xFFFFF086  }
0x1c: {  	p1 =	slt.u32 s9, $0xF7A;
	s5 =	simm.s32 @!p2 $0x0  }
0x1d: {  	s5 =	simm.s32 @p1 $0x1;
	p0 =	seq.s32 s7, s2  }
0x1e: {  	s7 =	smul.u32 @!p0 $0xF7A, s2;
	p2 =	seq.s32 @!p0 s5, $0x0  }
0x1f: {  	s9 =	smul.u32 $0xF7A, s1;
	s8 =	simm.s32 @!p0 $0x1BF5;
	p2 =	por !p2, p0  }
0x20: {  	[sflag:s8] =	ssyncset.s32 @!p0 $0xFFFFF086;
	s6 =	sadd.s32 @!p0 s3, s7;
	s7 =	simm.s32 @!p0 $0x108  }
0x21: {  	s3 =	sadd.s32 s3, s9;
	s6 =	sadd.s32 @!p0 $0x88, s6;
	s7 =	simm.s32 @p2 $0x1082  }
0x22: {  	[simem:s7], [sflag:s8] =	dma.local @!p0 [hbm:s6], $0xF7A  }
0x23: {  	s9 =	sor.u32 $0xD0000000, s2;
	s6 =	simm.s32 $0x108;
	_ =	swait.ge @!p0 [sflag:s8], $0x0  }
0x24: {  	s3 =	sadd.s32 $0x88, s3;
	s6 =	simm.s32 @!p1 $0x1082;
	[sflag:s4] =	ssyncset.s32 $0xFFFFF086  }
0x25: {  	[simem:s6], [sflag:s4] =	dma.local [hbm:s3], $0xF7A  }
0x26: {  	[smem:$0x3F9B] =	sst s1;
	(tag) =	ssettag s2;
	_ =	strace s9  }
0x27: {  	s1 =	sld [smem:$0x3FAB]  }
0x28: {  	s2 =	sld [smem:$0x3FAC]  }
0x29: {  	s4 =	sld [smem:$0x3FAE]  }
0x2a: {  	p0 =	seq.s32 s5, $0x0;
	s5 =	sld [smem:$0x3FAF]  }
0x2b: {  	s6 =	sld [smem:$0x3FB0]  }
0x2c: {  	s7 =	sld [smem:$0x3FB1]  }
0x2d: {  	s3 =	simm.s32 $0x108;
	s8 =	sld [smem:$0x3FB2]  }
0x2e: {  	s3 =	simm.s32 @!p0 $0x1082;
	s9 =	sld [smem:$0x3FB3]  }
0x2f: {  	lr =	sadd.s32 s0, s3;
	s0 =	sld [smem:$0x3FAA]  }
0x30: {  	s3 =	sld [smem:$0x3FAD]  }
0x31: {  	[smem:$0x3FB6] =	sst s10  }
0x32: {  	s10 =	sld [smem:$0x3FB4];
	_ =	sdelay $0x3  }
0x33: {  	p0 =	seq.s32 s10, $0x1;
	s10 =	sld [smem:$0x3FB6];
	_ =	sdelay $0x3  }
0x34: {  	[smem:$0x3FB6] =	sst s10  }
0x35: {  	s10 =	sld [smem:$0x3FB5];
	_ =	sdelay $0x3  }
0x36: {  	p1 =	seq.s32 s10, $0x1;
	s10 =	sld [smem:$0x3FB6];
	_ =	sdelay $0x3  }
0x37: {  	[smem:$0x3FB6] =	sst s10  }
0x38: {  	s10 =	sld [smem:$0x3FB7]  }
0x39: {  	_ = 	snop;
	(pc) =	sbr.ind lr, $3  }
0x3a: {  	_ = 	snop  }
0x3b: {  	_ = 	snop  }
0x3c: {  	p2 =	seq.s32 s10, $0x1;
	s10 =	sld [smem:$0x3FB6]  }
0x3d: {  	_ =	shalt  }
0x3e: {  	_ =	shalt  }
0x3f: {  	_ =	shalt  }
0x40: {  	_ =	shalt  }
0x41: {  	_ =	shalt  }
0x42: {  	_ =	shalt  }
0x43: {  	_ =	shalt  }
0x44: {  	_ =	shalt  }
0x45: {  	_ =	shalt  }
0x46: {  	_ =	shalt  }
0x47: {  	_ =	shalt  }
0x48: {  	_ =	shalt  }
0x49: {  	_ =	shalt  }
0x4a: {  	_ =	shalt  }
0x4b: {  	_ =	shalt  }
0x4c: {  	_ =	shalt  }
0x4d: {  	_ =	shalt  }
0x4e: {  	_ =	shalt  }
0x4f: {  	_ =	shalt  }
0x50: {  	_ =	shalt  }
0x51: {  	_ =	shalt  }
0x52: {  	_ =	shalt  }
0x53: {  	_ =	shalt  }
0x54: {  	_ =	shalt  }
0x55: {  	_ =	shalt  }
0x56: {  	_ =	shalt  }
0x57: {  	_ =	shalt  }
0x58: {  	_ =	shalt  }
0x59: {  	_ =	shalt  }
0x5a: {  	_ =	shalt  }
0x5b: {  	_ =	shalt  }
0x5c: {  	_ =	shalt  }
0x5d: {  	_ =	shalt  }
0x5e: {  	_ =	shalt  }
0x5f: {  	_ =	shalt  }
0x60: {  	_ =	shalt  }
0x61: {  	_ =	shalt  }
0x62: {  	_ =	shalt  }
0x63: {  	_ =	shalt  }
0x64: {  	_ =	shalt  }
0x65: {  	_ =	shalt  }
0x66: {  	_ =	shalt  }
0x67: {  	_ =	shalt  }
0x68: {  	_ =	shalt  }
0x69: {  	_ =	shalt  }
0x6a: {  	_ =	shalt  }
0x6b: {  	_ =	shalt  }
0x6c: {  	_ =	shalt  }
0x6d: {  	_ =	shalt  }
0x6e: {  	_ =	shalt  }
0x6f: {  	_ =	shalt  }
0x70: {  	_ =	shalt  }
0x71: {  	_ =	shalt  }
0x72: {  	_ =	shalt  }
0x73: {  	_ =	shalt  }
0x74: {  	_ =	shalt  }
0x75: {  	_ =	shalt  }
0x76: {  	_ =	shalt  }
0x77: {  	_ =	shalt  }
0x78: {  	_ =	shalt  }
0x79: {  	_ =	shalt  }
0x7a: {  	_ =	shalt  }
0x7b: {  	_ =	shalt  }
0x7c: {  	_ =	shalt  }
0x7d: {  	_ =	shalt  }
0x7e: {  	_ =	shalt  }
0x7f: {  	_ =	shalt  }
0x80: {  	_ =	shalt  }
0x81: {  	_ =	shalt  }
0x82: {  	_ =	shalt  }
0x83: {  	_ =	shalt  }
0x84: {  	_ =	shalt  }
0x85: {  	_ =	shalt  }
0x86: {  	_ =	shalt  }
0x87: {  	_ =	shalt  }
.Lfunc_end0:
.L_simem_size_0:
called_computation_lowered:
.L_overlay_start_0:
0x88: {  	s2 =	sld [smem:$0x3FD9]  }
0x89: {  	s3 =	sld [smem:$0x3FFE];
	_ =	sdelay $0x1  }
0x8a: {  	s1 =	srdreg.scid  }
0x8b: {  	s0 =	sand.u32 $0x1, s1  }
0x8c: {  	s16 =	sshll.u32 s0, $0xA;
	s2 =	sadd.s32 s3, s2  }
0x8d: {  	s2 =	sadd.s32 s2, s16  }
0x8e: {  	[smem:$0x3FC2] =	sst s2  }
0x8f: {  	_ = 	snop  }
0x90: {  	(tm) =	ssettm $0x1  }
0x91: {  	s17 =	sld [smem:$0x3FFB];
	_ =	sdelay $0x3  }
0x92: {  	_ =	strace s17  }
0x93: {  	s2 =	sld [smem:$0x3FFC];
	_ =	sdelay $0x3  }
0x94: {  	_ =	strace s2  }
0x95: {  	s2 =	sld [smem:$0x3FFD];
	_ =	sdelay $0x3  }
0x96: {  	_ =	strace s2  }
0x97: {  	_ =	strace $0x8FFFFFFF  }
0x98: {  	s18 =	sld [smem:$0x3FDB];
	_ =	sdelay $0x1  }
0x99: {  	s19 =	simm.s32 $_scs_section_size  }
0x9a: {  	s4 =	simm.s32 $_size__tile_overlayer_lowered;
	s5 =	simm.s32 $_tile_overlayer_lowered  }
0x9b: {  	s22 =	simm.s32 $0x1BFF;
	s21 =	sshll.u32 s5, $0x1;
	s2 =	sadd.s32 s19, s18  }
0x9c: {  	s6 =	simm.s32 $0x0;
	s20 =	sshll.u32 s4, $0x1;
	s4 =	sadd.s32 s21, s2  }
0x9d: {  	[timem:s6], [sflag:s22] =	dma.local [hbm:s4], s20  }
0x9e: {  	_ =	swait.ge [sflag:s22], s20  }
0x9f: {  	s3 =	ssub.s32 $0x0, s20;
	[sflag:s22] =	ssyncset.done $0x0  }
0xa0: {  	[sflag:s22] =	ssyncadd.s32 s3;
	_ =	sdelay $0x1  }
0xa1: {  	s23 =	simm.s32 $0x1B8B  }
0xa2: {  	_ =	swait.ge [sflag:s23], $0x1  }
0xa3: {  	[sflag:s23] =	ssyncset.done $0x0  }
0xa4: {  	s25 =	simm.s32 $0x1B8E;
	s24 =	sld [smem:$0x3FFE];
	[sflag:s23] =	ssyncadd.s32 $0xFFFFFFFF  }
0xa5: {  	s26 =	simm.s32 $execute0_lowered;
	[smem:$0x3FD2] =	sst s25  }
0xa6: {  	s4 =	sshll.u32 s26, $0x1;
	_ =	strace $0x80000046;
	[dreg:$0x1] =	wrdreg $0xFFFFFFFF  }
0xa7: {  	s28 =	simm.s32 $_size_execute0_lowered;
	s2 =	sadd.s32 s2, s4;
	[dreg:$0x0] =	wrdreg $0x0  }
0xa8: {  	s4 =	sshll.u32 s28, $0x1;
	[dreg:$0x2] =	wrdreg s2  }
0xa9: {  	[dreg:$0x3] =	wrdreg s4  }
0xaa: {  	[dreg:$0x4] =	wrdreg $0xC0  }
0xab: {  	_ =	task [dreg:s6], $0x5FFFF  }
0xac: {  	[dreg:$0x1] =	wrdreg $0xFFFFFFFF  }
0xad: {  	[dreg:$0x0] =	wrdreg $0x60  }
0xae: {  	[dreg:$0x2] =	wrdreg s24  }
0xaf: {  	[dreg:$0x3] =	wrdreg $0x9  }
0xb0: {  	_ =	task.clear_ibuf [dreg:s6], $0x4FFFF;
	_ =	strace $0x90000046  }
0xb1: {  	s29 =	simm.s32 $0x9;
	_ =	strace $0x80000048  }
0xb2: {  	_ =	swait.ge [sflag:s29], $0x1  }
0xb3: {  	[sflag:s29] =	ssyncadd.s32 $0xFFFFFFFF  }
0xb4: {  	_ =	strace $0x90000048  }
0xb5: {  	_ =	sfence  }
0xb6: {  	s30 =	sld [smem:$0x0];
	_ =	sdelay $0x2  }
0xb7: {  	s31 =	sshll.u32 s1, $0xD;
	s1 =	sshrl.u32 s1, $0x2  }
0xb8: {  	s3 =	sand.u32 $0x4000, s31;
	s1 =	sadd.s32 s1, s30  }
0xb9: {  	s0 =	sor.u32 s3, s0;
	s1 =	sshll.u32 s1, $0x11  }
0xba: {  	s0 =	sor.u32 s1, s0  }
0xbb: {  	s0 =	sadd.s32 $0x8F2B, s0  }
0xbc: {  	[sflag:s0] =	ssyncadd.remote.s32 $0x1  }
0xbd: {  	_ =	sfence.sel $0xFFFF  }
0xbe: {  	[dreg:$0x0] =	wrdreg $0xFFFFFFFF;
	(pc) =	sbr.abs _section_cstart, $3  }
0xbf: {  	[dreg:$0x1] =	wrdreg $0xFFFFFFFF  }
0xc0: {  	_ =	task.clear_ibuf [dreg:s6], $0x2FFFF;
	_ =	strace $0x9FFFFFFF  }
0xc1: {  	(tm) =	ssettm $0x7FFFFFFF  }
tec
execute0_lowered:
.L_overlay_start_1:
0x0: {  	(tag) =	ssettag $0x1  }
0x1: {  	s1 =	srdreg.scid  }
0x2: {  	s0 =	stileid.u32;
	s4 =	rddreg [dreg:$0x0];
	s2 =	simm.s32 $0x0  }
0x3: {  	s9 =	simm.s32 $0x6800;
	s10 =	simm.s32 $0x68;
	s11 =	simm.s32 $0x8100  }
0x4: {  	s12 =	simm.s32 $0x1;
	s13 =	simm.s32 $0x2;
	s14 =	simm.s32 $0x9A00  }
0x5: {  	s3 =	sand.u32 $0x1, s1;
	s5 =	sshll.u32 s0, $0x1;
	s1 =	rddreg [dreg:$0x1]  }
0x6: {  	s15 =	simm.s32 $0x0;
	[smem:$0x7FF] =	sst s2;
	s5 =	sor.u32 s3, s5  }
.Ltmp0:
0x7: {  	_ =	strace $0x80000047;
	s7 =	ssub.s32 $0x2, s3;
	(pc) =	sbr.rel .LBB2_1-.Ltmp0, $4  }
0x8: {  	s6 =	smul.u32 $0xD00, s5;
	s5 =	sshll.u32 s5, $0xC;
	s8 =	sshrl.u32 s7, $0x1  }
0x9: {  	s3 =	sadd.s32 $0x1AC00, s4;
	s5 =	sadd.s32 s5, s4;
	s7 =	ssub.s32 s7, s8  }
0xa: {  	s8 =	simm.s32 $0x64;
	s6 =	sadd.s32 s6, s4;
	s5 =	sadd.s32 $0x7C2C00, s5  }
0xb: {  	s4 =	sadd.s32 $0xC00, s6;
	s6 =	smax.u32 s7, $0x1;
	s7 =	simm.s32 $0x3  }
.LBB2_12:
0xc: {  	s15 =	sadd.s32 $0x1, s15  }
0xd: {  	p0 =	sne.s32 s15, s6  }
.Ltmp1:
0xe: {  	_ = 	snop;
	(pc) =	sbr.rel @!p0 .LBB2_13-.Ltmp1, $4  }
0xf: {  	[hbm4b:s5+s2] =	stream.linear.scatter [tilespmem:s14], [sflag:$0x3], $0x8000, $0x38;
	[tilespmem:$0x11A00] =	vst v63  }
0x10: {  	_ =	swait.ge [sflag:s7], $0x8000  }
0x11: {  	[sflag:s7] =	ssyncset.done $0x0  }
0x12: {  	[sflag:s7] =	ssyncadd.s32 $0xFFFF8000  }
.LBB2_1:
0x13: {  	[tilespmem:s2], [sflag:$0x3] =	stream.linear.gather [hbm4b:s4+s2], $0x6800, $0x38;
	[tilespmem:$0x11A00] =	vst v63  }
0x14: {  	_ =	swait.ge [sflag:s7], $0x6800  }
0x15: {  	[sflag:s7] =	ssyncset.done $0x0  }
0x16: {  	[sflag:s7] =	ssyncadd.s32 $0xFFFF9800  }
0x17: {  	[tilespmem:s9], [sflag:$0x1] =	stream.indirect.gather [hbm4b:s3+s8], $0x40, s2, s8, $0xb8;
	[tilespmem:$0x11A00] =	vst v63  }
0x18: {  	s16 =	simm.s32 $0x0  }
0x19: {  	[tilespmem:s11], [sflag:$0x2] =	stream.indirect.gather [hbm4b:s3+s8], $0x40, s10, s8, $0xb8;
	[tilespmem:$0x11A00] =	vst v63  }
.LBB2_2:
0x1a: {  	_ =	swait.ge [sflag:s12], $0x1900  }
0x1b: {  	[sflag:s12] =	ssyncset.done $0x0  }
0x1c: {  	s18 =	simm.s32 $0x68A0;
	[sflag:s12] =	ssyncadd.s32 $0xFFFFE700  }
0x1d: {  	v0 =	vld [tilespmem:s18+$0x60]  }
0x1e: {  	v1 =	vld [tilespmem:s18+$0x70]  }
0x1f: {  	v2 =	vld [tilespmem:s18+$0x20]  }
0x20: {  	v3 =	vld [tilespmem:s18+$0x30]  }
0x21: {  	v9 =	vld [tilespmem:s18+$0xFFFFFFE0]  }
0x22: {  	v12 =	vld [tilespmem:s18+$0xFFFFFFF0]  }
0x23: {  	v7 =	vld [tilespmem:s18+$0xFFFFFFA0]  }
0x24: {  	v8 =	vld [tilespmem:s18+$0xFFFFFFB0]  }
0x25: {  	v5 =	vld [tilespmem:s18+$0xFFFFFF60]  }
0x26: {  	v6 =	vld [tilespmem:s18+$0xFFFFFF70]  }
0x27: {  	v10 =	vld [tilespmem:s18+$0xFFFFFF80]  }
0x28: {  	v11 =	vld [tilespmem:s18+$0xFFFFFF90]  }
0x29: {  	v13 =	vld [tilespmem:s18+$0xFFFFFFC0]  }
0x2a: {  	v14 =	vld [tilespmem:s18+$0xFFFFFFD0]  }
0x2b: {  	v15 =	vimm.f32 $0.0e+00;
	v4 =	vld [tilespmem:s18+$0x0]  }
0x2c: {  	v16 =	vadd.f32 v5, v15;
	v17 =	vadd.f32 v6, v15;
	v6 =	vld [tilespmem:s18+$0x10]  }
0x2d: {  	v10 =	vadd.f32 v10, v15;
	v15 =	vadd.f32 v11, v15;
	v5 =	vld [tilespmem:s18+$0x40]  }
0x2e: {  	v16 =	vadd.f32 v7, v16;
	v17 =	vadd.f32 v8, v17;
	v8 =	vld [tilespmem:s18+$0x50]  }
0x2f: {  	v11 =	vadd.f32 v13, v10;
	v10 =	vadd.f32 v14, v15;
	v7 =	vld [tilespmem:s18+$0x80]  }
0x30: {  	s17 =	simm.s32 $0x0;
	v13 =	vadd.f32 v9, v16;
	v12 =	vadd.f32 v12, v17;
	v9 =	vld [tilespmem:s18+$0x90];
	s18 =	simm.s32 $0x69E0  }
.LBB2_3:
0x31: {  	v14 =	vld [tilespmem:s18+$0x60];
	v4 =	vadd.f32 v4, v11;
	v6 =	vadd.f32 v6, v10  }
0x32: {  	v10 =	vld [tilespmem:s18+$0x70];
	v11 =	vadd.f32 v2, v13;
	v12 =	vadd.f32 v3, v12  }
0x33: {  	v2 =	vld [tilespmem:s18+$0x20];
	v4 =	vadd.f32 v5, v4;
	v5 =	vadd.f32 v8, v6  }
0x34: {  	v3 =	vld [tilespmem:s18+$0x30];
	v6 =	vadd.f32 v0, v11;
	v8 =	vadd.f32 v1, v12  }
0x35: {  	v12 =	vld [tilespmem:s18+$0xFFFFFFE0];
	v7 =	vadd.f32 v7, v4;
	v5 =	vadd.f32 v9, v5  }
0x36: {  	v9 =	vld [tilespmem:s18+$0xFFFFFFF0];
	v0 =	vmov v14  }
0x37: {  	v11 =	vld [tilespmem:s18+$0xFFFFFFA0];
	v1 =	vmov v10  }
0x38: {  	v10 =	vld [tilespmem:s18+$0xFFFFFFB0]  }
0x39: {  	v13 =	vld [tilespmem:s18+$0xFFFFFF60]  }
0x3a: {  	v14 =	vld [tilespmem:s18+$0xFFFFFF70]  }
0x3b: {  	v15 =	vld [tilespmem:s18+$0xFFFFFF80]  }
0x3c: {  	s17 =	sadd.s32 $0x5, s17;
	v16 =	vld [tilespmem:s18+$0xFFFFFF90]  }
0x3d: {  	p0 =	slt.u32 s17, $0x2D;
	v17 =	vld [tilespmem:s18+$0xFFFFFFC0]  }
0x3e: {  	v18 =	vld [tilespmem:s18+$0xFFFFFFD0]  }
0x3f: {  	v4 =	vld [tilespmem:s18+$0x0]  }
.Ltmp2:
0x40: {  	v13 =	vadd.f32 v13, v6;
	v8 =	vadd.f32 v14, v8;
	v6 =	vld [tilespmem:s18+$0x10];
	(pc) =	sbr.rel @p0 .LBB2_3-.Ltmp2, $4  }
0x41: {  	v7 =	vadd.f32 v15, v7;
	v14 =	vadd.f32 v16, v5;
	v5 =	vld [tilespmem:s18+$0x40]  }
0x42: {  	v13 =	vadd.f32 v11, v13;
	v15 =	vadd.f32 v10, v8;
	v8 =	vld [tilespmem:s18+$0x50]  }
0x43: {  	v11 =	vadd.f32 v17, v7;
	v10 =	vadd.f32 v18, v14;
	v7 =	vld [tilespmem:s18+$0x80]  }
0x44: {  	v13 =	vadd.f32 v12, v13;
	v12 =	vadd.f32 v9, v15;
	v9 =	vld [tilespmem:s18+$0x90];
	s18 =	sadd.s32 $0x140, s18  }
0x45: {  	_ = 	snop  }
0x46: {  	v4 =	vadd.f32 v4, v11;
	v2 =	vadd.f32 v2, v13  }
0x47: {  	v6 =	vadd.f32 v6, v10;
	v3 =	vadd.f32 v3, v12  }
0x48: {  	v4 =	vadd.f32 v5, v4;
	v0 =	vadd.f32 v0, v2  }
0x49: {  	v2 =	vadd.f32 v8, v6;
	v1 =	vadd.f32 v1, v3  }
0x4a: {  	s17 =	sshll.u32 s16, $0xA;
	v3 =	vadd.f32 v7, v4;
	v0 =	vmul.f32 $1.999999960e-02, v0  }
0x4b: {  	s17 =	sshra.s32 s17, $0x2;
	v2 =	vadd.f32 v9, v2;
	v1 =	vmul.f32 $1.999999960e-02, v1  }
0x4c: {  	[tilespmem:s17+$0x9A00] =	vst v0;
	v0 =	vmul.f32 $1.999999960e-02, v3  }
0x4d: {  	[tilespmem:s17+$0x9A10] =	vst v1;
	v1 =	vmul.f32 $1.999999960e-02, v2  }
0x4e: {  	[tilespmem:s17+$0x9A20] =	vst v0  }
0x4f: {  	s19 =	simm.s32 $0x75B0;
	[tilespmem:s17+$0x9A30] =	vst v1  }
0x50: {  	v0 =	vld [tilespmem:s19+$0xFFFFFFD0]  }
0x51: {  	v1 =	vld [tilespmem:s19+$0xFFFFFFE0]  }
0x52: {  	v2 =	vld [tilespmem:s19+$0xFFFFFF90]  }
0x53: {  	v3 =	vld [tilespmem:s19+$0xFFFFFFA0]  }
0x54: {  	v9 =	vld [tilespmem:s19+$0xFFFFFF50]  }
0x55: {  	v12 =	vld [tilespmem:s19+$0xFFFFFF60]  }
0x56: {  	v7 =	vld [tilespmem:s19+$0xFFFFFF10]  }
0x57: {  	v8 =	vld [tilespmem:s19+$0xFFFFFF20]  }
0x58: {  	v5 =	vld [tilespmem:s19+$0xFFFFFED0]  }
0x59: {  	v6 =	vld [tilespmem:s19+$0xFFFFFEE0]  }
0x5a: {  	v10 =	vld [tilespmem:s19+$0xFFFFFEF0]  }
0x5b: {  	v11 =	vld [tilespmem:s19+$0xFFFFFF00]  }
0x5c: {  	v13 =	vld [tilespmem:s19+$0xFFFFFF30]  }
0x5d: {  	v14 =	vld [tilespmem:s19+$0xFFFFFF40]  }
0x5e: {  	v15 =	vimm.f32 $0.0e+00;
	v4 =	vld [tilespmem:s19+$0xFFFFFF70]  }
0x5f: {  	v16 =	vadd.f32 v5, v15;
	v17 =	vadd.f32 v6, v15;
	v6 =	vld [tilespmem:s19+$0xFFFFFF80]  }
0x60: {  	v10 =	vadd.f32 v10, v15;
	v15 =	vadd.f32 v11, v15;
	v5 =	vld [tilespmem:s19+$0xFFFFFFB0]  }
0x61: {  	v16 =	vadd.f32 v7, v16;
	v17 =	vadd.f32 v8, v17;
	v8 =	vld [tilespmem:s19+$0xFFFFFFC0]  }
0x62: {  	v11 =	vadd.f32 v13, v10;
	v10 =	vadd.f32 v14, v15;
	v7 =	vld [tilespmem:s19+$0xFFFFFFF0]  }
0x63: {  	s18 =	simm.s32 $0x0;
	v13 =	vadd.f32 v9, v16;
	v12 =	vadd.f32 v12, v17;
	v9 =	vld [tilespmem:s19+$0x0];
	s19 =	simm.s32 $0x76F0  }
.LBB2_5:
0x64: {  	v14 =	vld [tilespmem:s19+$0xFFFFFFD0];
	v4 =	vadd.f32 v4, v11;
	v6 =	vadd.f32 v6, v10  }
0x65: {  	v10 =	vld [tilespmem:s19+$0xFFFFFFE0];
	v11 =	vadd.f32 v2, v13;
	v12 =	vadd.f32 v3, v12  }
0x66: {  	v2 =	vld [tilespmem:s19+$0xFFFFFF90];
	v4 =	vadd.f32 v5, v4;
	v5 =	vadd.f32 v8, v6  }
0x67: {  	v3 =	vld [tilespmem:s19+$0xFFFFFFA0];
	v6 =	vadd.f32 v0, v11;
	v8 =	vadd.f32 v1, v12  }
0x68: {  	v12 =	vld [tilespmem:s19+$0xFFFFFF50];
	v7 =	vadd.f32 v7, v4;
	v5 =	vadd.f32 v9, v5  }
0x69: {  	v9 =	vld [tilespmem:s19+$0xFFFFFF60];
	v0 =	vmov v14  }
0x6a: {  	v11 =	vld [tilespmem:s19+$0xFFFFFF10];
	v1 =	vmov v10  }
0x6b: {  	v10 =	vld [tilespmem:s19+$0xFFFFFF20]  }
0x6c: {  	v13 =	vld [tilespmem:s19+$0xFFFFFED0]  }
0x6d: {  	v14 =	vld [tilespmem:s19+$0xFFFFFEE0]  }
0x6e: {  	v15 =	vld [tilespmem:s19+$0xFFFFFEF0]  }
0x6f: {  	s18 =	sadd.s32 $0x5, s18;
	v16 =	vld [tilespmem:s19+$0xFFFFFF00]  }
0x70: {  	p0 =	slt.u32 s18, $0x2D;
	v17 =	vld [tilespmem:s19+$0xFFFFFF30]  }
0x71: {  	v18 =	vld [tilespmem:s19+$0xFFFFFF40]  }
0x72: {  	v4 =	vld [tilespmem:s19+$0xFFFFFF70]  }
.Ltmp3:
0x73: {  	v13 =	vadd.f32 v13, v6;
	v8 =	vadd.f32 v14, v8;
	v6 =	vld [tilespmem:s19+$0xFFFFFF80];
	(pc) =	sbr.rel @p0 .LBB2_5-.Ltmp3, $4  }
0x74: {  	v7 =	vadd.f32 v15, v7;
	v14 =	vadd.f32 v16, v5;
	v5 =	vld [tilespmem:s19+$0xFFFFFFB0]  }
0x75: {  	v13 =	vadd.f32 v11, v13;
	v15 =	vadd.f32 v10, v8;
	v8 =	vld [tilespmem:s19+$0xFFFFFFC0]  }
0x76: {  	v11 =	vadd.f32 v17, v7;
	v10 =	vadd.f32 v18, v14;
	v7 =	vld [tilespmem:s19+$0xFFFFFFF0]  }
0x77: {  	v13 =	vadd.f32 v12, v13;
	v12 =	vadd.f32 v9, v15;
	v9 =	vld [tilespmem:s19+$0x0];
	s19 =	sadd.s32 $0x140, s19  }
0x78: {  	_ = 	snop  }
0x79: {  	v4 =	vadd.f32 v4, v11;
	v2 =	vadd.f32 v2, v13  }
0x7a: {  	v6 =	vadd.f32 v6, v10;
	v3 =	vadd.f32 v3, v12  }
0x7b: {  	v4 =	vadd.f32 v5, v4;
	v0 =	vadd.f32 v0, v2  }
0x7c: {  	v2 =	vadd.f32 v8, v6;
	v1 =	vadd.f32 v1, v3  }
0x7d: {  	v3 =	vadd.f32 v7, v4;
	v0 =	vmul.f32 $1.999999960e-02, v0  }
0x7e: {  	p0 =	seq.s32 s16, $0x7F;
	v2 =	vadd.f32 v9, v2;
	v1 =	vmul.f32 $1.999999960e-02, v1  }
0x7f: {  	s18 =	smul.u32 @!p0 $0x340, s16;
	[tilespmem:s17+$0x9A40] =	vst v0;
	v0 =	vmul.f32 $1.999999960e-02, v3  }
0x80: {  	[tilespmem:s17+$0x9A50] =	vst v1;
	v1 =	vmul.f32 $1.999999960e-02, v2  }
0x81: {  	s18 =	sshra.s32 @!p0 s18, $0x2;
	[tilespmem:s17+$0x9A60] =	vst v0  }
0x82: {  	s19 =	simm.s32 @!p0 $0x64;
	s20 =	simm.s32 @!p0 $0x6800;
	s18 =	sadd.s32 @!p0 $0xD0, s18;
	[tilespmem:s17+$0x9A70] =	vst v1  }
0x83: {  	[tilespmem:s20], [sflag:$0x1] =	stream.indirect.gather @!p0 [hbm4b:s3+s19], $0x40, s18, s19, $0xb8;
	[tilespmem:$0x11A00] =	vst v63  }
0x84: {  	_ =	swait.ge [sflag:s13], $0x1900  }
0x85: {  	[sflag:s13] =	ssyncset.done $0x0  }
0x86: {  	s31 =	simm.s32 $0x81A0;
	[sflag:s13] =	ssyncadd.s32 $0xFFFFE700  }
0x87: {  	v0 =	vld [tilespmem:s31+$0x60]  }
0x88: {  	v1 =	vld [tilespmem:s31+$0x70]  }
0x89: {  	v2 =	vld [tilespmem:s31+$0x20]  }
0x8a: {  	v3 =	vld [tilespmem:s31+$0x30]  }
0x8b: {  	v9 =	vld [tilespmem:s31+$0xFFFFFFE0]  }
0x8c: {  	v12 =	vld [tilespmem:s31+$0xFFFFFFF0]  }
0x8d: {  	v7 =	vld [tilespmem:s31+$0xFFFFFFA0]  }
0x8e: {  	v8 =	vld [tilespmem:s31+$0xFFFFFFB0]  }
0x8f: {  	v5 =	vld [tilespmem:s31+$0xFFFFFF60]  }
0x90: {  	v6 =	vld [tilespmem:s31+$0xFFFFFF70]  }
0x91: {  	v10 =	vld [tilespmem:s31+$0xFFFFFF80]  }
0x92: {  	v11 =	vld [tilespmem:s31+$0xFFFFFF90]  }
0x93: {  	v13 =	vld [tilespmem:s31+$0xFFFFFFC0]  }
0x94: {  	v14 =	vld [tilespmem:s31+$0xFFFFFFD0]  }
0x95: {  	v15 =	vimm.f32 $0.0e+00;
	v4 =	vld [tilespmem:s31+$0x0]  }
0x96: {  	v16 =	vadd.f32 v5, v15;
	v17 =	vadd.f32 v6, v15;
	v6 =	vld [tilespmem:s31+$0x10]  }
0x97: {  	v10 =	vadd.f32 v10, v15;
	v15 =	vadd.f32 v11, v15;
	v5 =	vld [tilespmem:s31+$0x40]  }
0x98: {  	v16 =	vadd.f32 v7, v16;
	v17 =	vadd.f32 v8, v17;
	v8 =	vld [tilespmem:s31+$0x50]  }
0x99: {  	v11 =	vadd.f32 v13, v10;
	v10 =	vadd.f32 v14, v15;
	v7 =	vld [tilespmem:s31+$0x80]  }
0x9a: {  	s18 =	simm.s32 $0x0;
	s19 =	simm.s32 $0x82E0;
	v13 =	vadd.f32 v9, v16;
	v12 =	vadd.f32 v12, v17;
	v9 =	vld [tilespmem:s31+$0x90]  }
.LBB2_7:
0x9b: {  	v14 =	vld [tilespmem:s19+$0x60];
	v4 =	vadd.f32 v4, v11;
	v6 =	vadd.f32 v6, v10  }
0x9c: {  	v10 =	vld [tilespmem:s19+$0x70];
	v11 =	vadd.f32 v2, v13;
	v12 =	vadd.f32 v3, v12  }
0x9d: {  	v2 =	vld [tilespmem:s19+$0x20];
	v4 =	vadd.f32 v5, v4;
	v5 =	vadd.f32 v8, v6  }
0x9e: {  	v3 =	vld [tilespmem:s19+$0x30];
	v6 =	vadd.f32 v0, v11;
	v8 =	vadd.f32 v1, v12  }
0x9f: {  	v12 =	vld [tilespmem:s19+$0xFFFFFFE0];
	v7 =	vadd.f32 v7, v4;
	v5 =	vadd.f32 v9, v5  }
0xa0: {  	v9 =	vld [tilespmem:s19+$0xFFFFFFF0];
	v0 =	vmov v14  }
0xa1: {  	v11 =	vld [tilespmem:s19+$0xFFFFFFA0];
	v1 =	vmov v10  }
0xa2: {  	v10 =	vld [tilespmem:s19+$0xFFFFFFB0]  }
0xa3: {  	v13 =	vld [tilespmem:s19+$0xFFFFFF60]  }
0xa4: {  	v14 =	vld [tilespmem:s19+$0xFFFFFF70]  }
0xa5: {  	v15 =	vld [tilespmem:s19+$0xFFFFFF80]  }
0xa6: {  	s18 =	sadd.s32 $0x5, s18;
	v16 =	vld [tilespmem:s19+$0xFFFFFF90]  }
0xa7: {  	p1 =	slt.u32 s18, $0x2D;
	v17 =	vld [tilespmem:s19+$0xFFFFFFC0]  }
0xa8: {  	v18 =	vld [tilespmem:s19+$0xFFFFFFD0]  }
0xa9: {  	v4 =	vld [tilespmem:s19+$0x0]  }
.Ltmp4:
0xaa: {  	v13 =	vadd.f32 v13, v6;
	v8 =	vadd.f32 v14, v8;
	v6 =	vld [tilespmem:s19+$0x10];
	(pc) =	sbr.rel @p1 .LBB2_7-.Ltmp4, $4  }
0xab: {  	v7 =	vadd.f32 v15, v7;
	v14 =	vadd.f32 v16, v5;
	v5 =	vld [tilespmem:s19+$0x40]  }
0xac: {  	v13 =	vadd.f32 v11, v13;
	v15 =	vadd.f32 v10, v8;
	v8 =	vld [tilespmem:s19+$0x50]  }
0xad: {  	v11 =	vadd.f32 v17, v7;
	v10 =	vadd.f32 v18, v14;
	v7 =	vld [tilespmem:s19+$0x80]  }
0xae: {  	v13 =	vadd.f32 v12, v13;
	v12 =	vadd.f32 v9, v15;
	v9 =	vld [tilespmem:s19+$0x90];
	s19 =	sadd.s32 $0x140, s19  }
0xaf: {  	_ = 	snop  }
0xb0: {  	v4 =	vadd.f32 v4, v11;
	v2 =	vadd.f32 v2, v13  }
0xb1: {  	v6 =	vadd.f32 v6, v10;
	v3 =	vadd.f32 v3, v12  }
0xb2: {  	v4 =	vadd.f32 v5, v4;
	v0 =	vadd.f32 v0, v2  }
0xb3: {  	v2 =	vadd.f32 v8, v6;
	v1 =	vadd.f32 v1, v3  }
0xb4: {  	v3 =	vadd.f32 v7, v4;
	v0 =	vmul.f32 $1.999999960e-02, v0  }
0xb5: {  	v2 =	vadd.f32 v9, v2;
	v1 =	vmul.f32 $1.999999960e-02, v1  }
0xb6: {  	[tilespmem:s17+$0x9A80] =	vst v0;
	v0 =	vmul.f32 $1.999999960e-02, v3  }
0xb7: {  	[tilespmem:s17+$0x9A90] =	vst v1;
	v1 =	vmul.f32 $1.999999960e-02, v2  }
0xb8: {  	[tilespmem:s17+$0x9AA0] =	vst v0  }
0xb9: {  	s19 =	simm.s32 $0x8EB0;
	[tilespmem:s17+$0x9AB0] =	vst v1  }
0xba: {  	v0 =	vld [tilespmem:s19+$0xFFFFFFD0]  }
0xbb: {  	v1 =	vld [tilespmem:s19+$0xFFFFFFE0]  }
0xbc: {  	v2 =	vld [tilespmem:s19+$0xFFFFFF90]  }
0xbd: {  	v3 =	vld [tilespmem:s19+$0xFFFFFFA0]  }
0xbe: {  	v9 =	vld [tilespmem:s19+$0xFFFFFF50]  }
0xbf: {  	v12 =	vld [tilespmem:s19+$0xFFFFFF60]  }
0xc0: {  	v7 =	vld [tilespmem:s19+$0xFFFFFF10]  }
0xc1: {  	v8 =	vld [tilespmem:s19+$0xFFFFFF20]  }
0xc2: {  	v5 =	vld [tilespmem:s19+$0xFFFFFED0]  }
0xc3: {  	v6 =	vld [tilespmem:s19+$0xFFFFFEE0]  }
0xc4: {  	v10 =	vld [tilespmem:s19+$0xFFFFFEF0]  }
0xc5: {  	v11 =	vld [tilespmem:s19+$0xFFFFFF00]  }
0xc6: {  	v13 =	vld [tilespmem:s19+$0xFFFFFF30]  }
0xc7: {  	v14 =	vld [tilespmem:s19+$0xFFFFFF40]  }
0xc8: {  	v15 =	vimm.f32 $0.0e+00;
	v4 =	vld [tilespmem:s19+$0xFFFFFF70]  }
0xc9: {  	v16 =	vadd.f32 v5, v15;
	v17 =	vadd.f32 v6, v15;
	v6 =	vld [tilespmem:s19+$0xFFFFFF80]  }
0xca: {  	v10 =	vadd.f32 v10, v15;
	v15 =	vadd.f32 v11, v15;
	v5 =	vld [tilespmem:s19+$0xFFFFFFB0]  }
0xcb: {  	v16 =	vadd.f32 v7, v16;
	v17 =	vadd.f32 v8, v17;
	v8 =	vld [tilespmem:s19+$0xFFFFFFC0]  }
0xcc: {  	v11 =	vadd.f32 v13, v10;
	v10 =	vadd.f32 v14, v15;
	v7 =	vld [tilespmem:s19+$0xFFFFFFF0]  }
0xcd: {  	s18 =	simm.s32 $0x0;
	v13 =	vadd.f32 v9, v16;
	v12 =	vadd.f32 v12, v17;
	v9 =	vld [tilespmem:s19+$0x0];
	s19 =	simm.s32 $0x8FF0  }
.LBB2_9:
0xce: {  	v14 =	vld [tilespmem:s19+$0xFFFFFFD0];
	v4 =	vadd.f32 v4, v11;
	v6 =	vadd.f32 v6, v10  }
0xcf: {  	v10 =	vld [tilespmem:s19+$0xFFFFFFE0];
	v11 =	vadd.f32 v2, v13;
	v12 =	vadd.f32 v3, v12  }
0xd0: {  	v2 =	vld [tilespmem:s19+$0xFFFFFF90];
	v4 =	vadd.f32 v5, v4;
	v5 =	vadd.f32 v8, v6  }
0xd1: {  	v3 =	vld [tilespmem:s19+$0xFFFFFFA0];
	v6 =	vadd.f32 v0, v11;
	v8 =	vadd.f32 v1, v12  }
0xd2: {  	v12 =	vld [tilespmem:s19+$0xFFFFFF50];
	v7 =	vadd.f32 v7, v4;
	v5 =	vadd.f32 v9, v5  }
0xd3: {  	v9 =	vld [tilespmem:s19+$0xFFFFFF60];
	v0 =	vmov v14  }
0xd4: {  	v11 =	vld [tilespmem:s19+$0xFFFFFF10];
	v1 =	vmov v10  }
0xd5: {  	v10 =	vld [tilespmem:s19+$0xFFFFFF20]  }
0xd6: {  	v13 =	vld [tilespmem:s19+$0xFFFFFED0]  }
0xd7: {  	v14 =	vld [tilespmem:s19+$0xFFFFFEE0]  }
0xd8: {  	v15 =	vld [tilespmem:s19+$0xFFFFFEF0]  }
0xd9: {  	s18 =	sadd.s32 $0x5, s18;
	v16 =	vld [tilespmem:s19+$0xFFFFFF00]  }
0xda: {  	p1 =	slt.u32 s18, $0x2D;
	v17 =	vld [tilespmem:s19+$0xFFFFFF30]  }
0xdb: {  	v18 =	vld [tilespmem:s19+$0xFFFFFF40]  }
0xdc: {  	v4 =	vld [tilespmem:s19+$0xFFFFFF70]  }
.Ltmp5:
0xdd: {  	v13 =	vadd.f32 v13, v6;
	v8 =	vadd.f32 v14, v8;
	v6 =	vld [tilespmem:s19+$0xFFFFFF80];
	(pc) =	sbr.rel @p1 .LBB2_9-.Ltmp5, $4  }
0xde: {  	v7 =	vadd.f32 v15, v7;
	v14 =	vadd.f32 v16, v5;
	v5 =	vld [tilespmem:s19+$0xFFFFFFB0]  }
0xdf: {  	v13 =	vadd.f32 v11, v13;
	v15 =	vadd.f32 v10, v8;
	v8 =	vld [tilespmem:s19+$0xFFFFFFC0]  }
0xe0: {  	v11 =	vadd.f32 v17, v7;
	v10 =	vadd.f32 v18, v14;
	v7 =	vld [tilespmem:s19+$0xFFFFFFF0]  }
0xe1: {  	v13 =	vadd.f32 v12, v13;
	v12 =	vadd.f32 v9, v15;
	v9 =	vld [tilespmem:s19+$0x0];
	s19 =	sadd.s32 $0x140, s19  }
0xe2: {  	_ = 	snop  }
0xe3: {  	v4 =	vadd.f32 v4, v11;
	v2 =	vadd.f32 v2, v13  }
0xe4: {  	v6 =	vadd.f32 v6, v10;
	v3 =	vadd.f32 v3, v12  }
0xe5: {  	v4 =	vadd.f32 v5, v4;
	v0 =	vadd.f32 v0, v2  }
0xe6: {  	v60 =	vadd.f32 v8, v6;
	v1 =	vadd.f32 v1, v3  }
0xe7: {  	v61 =	vadd.f32 v7, v4;
	v0 =	vmul.f32 $1.999999960e-02, v0  }
.Ltmp6:
0xe8: {  	v2 =	vadd.f32 v9, v60;
	v1 =	vmul.f32 $1.999999960e-02, v1;
	(pc) =	sbr.rel @p0 .LBB2_12-.Ltmp6, $4  }
0xe9: {  	v62 =	vmul.f32 $1.999999960e-02, v61;
	[tilespmem:s17+$0x9AC0] =	vst v0  }
0xea: {  	v63 =	vmul.f32 $1.999999960e-02, v2;
	[tilespmem:s17+$0x9AD0] =	vst v1  }
0xeb: {  	[tilespmem:s17+$0x9AE0] =	vst v62  }
0xec: {  	[tilespmem:s17+$0x9AF0] =	vst v63  }
0xed: {  	s17 =	smul.u32 $0x340, s16  }
.Ltmp7:
0xee: {  	_ = 	snop;
	(pc) =	sbr.rel .LBB2_2-.Ltmp7, $4  }
0xef: {  	_ = 	snop  }
0xf0: {  	s17 =	sshra.s32 s17, $0x2  }
0xf1: {  	s16 =	sadd.s32 $0x1, s16;
	s17 =	sadd.s32 $0x138, s17  }
0xf2: {  	[tilespmem:s11], [sflag:$0x2] =	stream.indirect.gather [hbm4b:s3+s8], $0x40, s17, s8, $0xb8;
	[tilespmem:$0x11A00] =	vst v63  }
.LBB2_13:
0xf3: {  	_ =	sfence.sel $0x180000  }
0xf4: {  	[bflag:$0x0] =	sbarrier.arrive $0xFFFF  }
0xf5: {  	p0 =	sne.s32 s0, $0x0;
	_ =	strace $0x90000047  }
0xf6: {  	s0 =	sadd.s32 @!p0 $0x100000, s1;
	[bflag:$0x2] =	sbarrier.arrive $0xFFFF  }
0xf7: {  	[sflag:s0] =	ssyncadd.tile.s32 @!p0 $0x1;
	_ =	shalt  }
.Lfunc_end2:
_tile_overlayer_lowered:
.L_overlay_start_2:
0xf8: {  	(tag) =	ssettag $0x2  }
0xf9: {  	s0 =	rddreg [dreg:$0x0];
	s2 =	stileid.u32  }
0xfa: {  	s1 =	rddreg [dreg:$0x1];
	p0 =	sne.s32 s2, $0x0  }
0xfb: {  	s3 =	rddreg [dreg:$0x2];
	[bflag:$0x3] =	sbarrier.arrive $0xFFFF;
	s2 =	simm.s32 @!p0 $0x1C03  }
0xfc: {  	[timem:s3], [sflag:s2] =	dma.local @!p0 [hbm:s0], s1  }
0xfd: {  	s0 =	simm.s32 @!p0 $0x3  }
0xfe: {  	_ =	swait.ge @!p0 [sflag:s0], s1  }
0xff: {  	s1 =	ssub.s32 @!p0 $0x0, s1;
	[sflag:s0] =	ssyncset.done @!p0 $0x0  }
0x100: {  	[sflag:s0] =	ssyncadd.s32 @!p0 s1  }
0x101: {  	[bflag:$0x3] =	sbarrier.arrive $0xFFFF  }
0x102: {  	_ =	shalt  }

</sc_bundles>
